<compile_context>
chip_gen: v7x
topology: tpu7x:2x2x1
jax: 0.10.2.dev20260603
libtpu: 0.0.44.dev20260713+nightly
codegen_flags: <defaults>
</compile_context>

<pallas_src>
import functools

import jax
import jax.numpy as jnp
from jax import lax
from jax.experimental import pallas as pl
from jax.experimental.pallas import tpu as pltpu
from jax.experimental.pallas import tpu_sc as plsc

_B = 16384
_GMF = 32
_MLPD = 32
_TD = 64


_NC = 2
_NS = 16
_NW = _NC * _NS
_BPW = _B // _NW
_HALF = _BPW // 2
_CH = 128


def _sc_gather_body(users_h, items_h, ug_h, ig_h, um_h, im_h, ut_h, it_h,
                    o_ug, o_ig, o_um, o_im, o_ut, o_it,
                    uidx_v, iidx_v, b_ug, b_ig, b_um, b_im, b_ut, b_it, sem):
    wid = lax.axis_index("s") * _NC + lax.axis_index("c")
    base = wid * _BPW
    pltpu.sync_copy(users_h.at[pl.ds(base, _BPW)], uidx_v)
    pltpu.sync_copy(items_h.at[pl.ds(base, _BPW)], iidx_v)
    for h in range(2):
        off = h * _HALF
        copies = []
        for j in range(_HALF // _CH):
            src = pl.ds(off + j * _CH, _CH)
            dst = pl.ds(j * _CH, _CH)
            copies.append(pltpu.async_copy(
                ug_h.at[uidx_v.at[src]], b_ug.at[dst], sem))
            copies.append(pltpu.async_copy(
                ig_h.at[iidx_v.at[src]], b_ig.at[dst], sem))
            copies.append(pltpu.async_copy(
                um_h.at[uidx_v.at[src]], b_um.at[dst], sem))
            copies.append(pltpu.async_copy(
                im_h.at[iidx_v.at[src]], b_im.at[dst], sem))
            copies.append(pltpu.async_copy(
                ut_h.at[uidx_v.at[src]], b_ut.at[dst], sem))
            copies.append(pltpu.async_copy(
                it_h.at[iidx_v.at[src]], b_it.at[dst], sem))
        for c in copies:
            c.wait()
        dst = pl.ds(base + off, _HALF)
        pltpu.sync_copy(b_ug, o_ug.at[dst])
        pltpu.sync_copy(b_ig, o_ig.at[dst])
        pltpu.sync_copy(b_um, o_um.at[dst])
        pltpu.sync_copy(b_im, o_im.at[dst])
        pltpu.sync_copy(b_ut, o_ut.at[dst])
        pltpu.sync_copy(b_it, o_it.at[dst])


def _sc_gather(users, items, ug, ig, um, im, ut, it):
    mesh = plsc.VectorSubcoreMesh(core_axis_name="c", subcore_axis_name="s")
    f32 = jnp.float32
    out_type = (
        jax.ShapeDtypeStruct((_B, _GMF), f32),
        jax.ShapeDtypeStruct((_B, _GMF), f32),
        jax.ShapeDtypeStruct((_B, _MLPD), f32),
        jax.ShapeDtypeStruct((_B, _MLPD), f32),
        jax.ShapeDtypeStruct((_B, _TD), f32),
        jax.ShapeDtypeStruct((_B, _TD), f32),
    )
    scratch = [
        pltpu.VMEM((_BPW,), jnp.int32),
        pltpu.VMEM((_BPW,), jnp.int32),
        pltpu.VMEM((_HALF, _GMF), f32),
        pltpu.VMEM((_HALF, _GMF), f32),
        pltpu.VMEM((_HALF, _MLPD), f32),
        pltpu.VMEM((_HALF, _MLPD), f32),
        pltpu.VMEM((_HALF, _TD), f32),
        pltpu.VMEM((_HALF, _TD), f32),
        pltpu.SemaphoreType.DMA,
    ]
    fn = functools.partial(
        pl.kernel, mesh=mesh, out_type=out_type, scratch_types=scratch,
        compiler_params=pltpu.CompilerParams(use_tc_tiling_on_sc=False),
    )(_sc_gather_body)
    return fn(users, items, ug, ig, um, im, ut, it)



_BM = 2048


def _tc_body(gu, gi, mu, mi, tu, ti, ulg, ulb, ilg, ilb,
             W1, b1, W2, b2, W3, b3, W4, b4, wo, bo, out):
    def ln(x, g, b):
        m = jnp.mean(x, axis=-1, keepdims=True)
        v = jnp.mean((x - m) * (x - m), axis=-1, keepdims=True)
        return (x - m) * lax.rsqrt(v + 1e-5) * g[None, :] + b[None, :]

    tun = ln(tu[...], ulg[...], ulb[...])
    tin = ln(ti[...], ilg[...], ilb[...])
    h = jnp.concatenate([mu[...], mi[...], tun, tin], axis=-1)
    h = jnp.maximum(jnp.dot(h, W1[...],
                            preferred_element_type=jnp.float32) + b1[...][None, :], 0.0)
    h = jnp.maximum(jnp.dot(h, W2[...],
                            preferred_element_type=jnp.float32) + b2[...][None, :], 0.0)
    h = jnp.maximum(jnp.dot(h, W3[...],
                            preferred_element_type=jnp.float32) + b3[...][None, :], 0.0)
    h = jnp.maximum(jnp.dot(h, W4[...],
                            preferred_element_type=jnp.float32) + b4[...][None, :], 0.0)
    fused = jnp.concatenate([gu[...] * gi[...], h], axis=-1)
    out[...] = (jnp.sum(fused * wo[...][None, :], axis=-1, keepdims=True)
                + bo[...][0])


def _tc_mlp(gu, gi, mu, mi, tu, ti, ulg, ulb, ilg, ilb,
            W1, b1, W2, b2, W3, b3, W4, b4, wo, bo, interpret=False):
    grid = (_B // _BM,)

    def row_spec(d):
        return pl.BlockSpec((_BM, d), lambda i: (i, 0))

    def full_spec(shape):
        nd = len(shape)
        return pl.BlockSpec(shape, lambda i: (0,) * nd)

    in_specs = [
        row_spec(_GMF), row_spec(_GMF), row_spec(_MLPD), row_spec(_MLPD),
        row_spec(_TD), row_spec(_TD),
        full_spec((_TD,)), full_spec((_TD,)), full_spec((_TD,)), full_spec((_TD,)),
        full_spec((192, 512)), full_spec((512,)),
        full_spec((512, 256)), full_spec((256,)),
        full_spec((256, 128)), full_spec((128,)),
        full_spec((128, 64)), full_spec((64,)),
        full_spec((96,)), full_spec((1,)),
    ]
    out = pl.pallas_call(
        _tc_body,
        grid=grid,
        in_specs=in_specs,
        out_specs=pl.BlockSpec((_BM, 1), lambda i: (i, 0)),
        out_shape=jax.ShapeDtypeStruct((_B, 1), jnp.float32),
        interpret=interpret,
    )(gu, gi, mu, mi, tu, ti, ulg, ulb, ilg, ilb,
      W1, b1, W2, b2, W3, b3, W4, b4, wo, bo)
    return out[:, 0]


def kernel(users, items, user_id_gmf, item_id_gmf, user_id_mlp, item_id_mlp,
           user_text, item_text, user_ln_g, user_ln_b, item_ln_g, item_ln_b,
           W1, b1, W2, b2, W3, b3, W4, b4, Wo, bo):
    gu, gi, mu, mi, tu, ti = _sc_gather(
        users, items, user_id_gmf, item_id_gmf, user_id_mlp, item_id_mlp,
        user_text, item_text)
    return _tc_mlp(gu, gi, mu, mi, tu, ti,
                   user_ln_g, user_ln_b, item_ln_g, item_ln_b,
                   W1, b1, W2, b2, W3, b3, W4, b4, Wo[:, 0], bo)

# --- scband reference (transcript-rebuilt; emitter-appended) ---
"""Pipeline reference for scband-optimized-hybrid-neu-mf-4406636445707 (READ-ONLY COPY).

The authoritative reference and input builder live on the scoring server;
editing this copy changes nothing except your own understanding.
"""

import jax, jax.numpy as jnp
import numpy as np

NU = 1000000
NI = 1000000
GMF = 32
MLPD = 32
TD = 64
B = 16384


def _xavier(key, fan_in, fan_out):
    std = np.sqrt(2.0 / (fan_in + fan_out))
    return jax.random.normal(key, (fan_in, fan_out), dtype=jnp.float32) * std


def setup_inputs(seed: int = 0) -> dict:
    key = jax.random.key(seed)
    ks = jax.random.split(key, 24)
    mlp_in = MLPD * 2 + TD * 2
    inp = {
        'users': jax.random.randint(ks[0], (B,), 0, NU, dtype=jnp.int32),
        'items': jax.random.randint(ks[1], (B,), 0, NI, dtype=jnp.int32),
        'user_id_gmf': jax.random.normal(ks[2], (NU, GMF), dtype=jnp.float32) * 0.01,
        'item_id_gmf': jax.random.normal(ks[3], (NI, GMF), dtype=jnp.float32) * 0.01,
        'user_id_mlp': jax.random.normal(ks[4], (NU, MLPD), dtype=jnp.float32) * 0.01,
        'item_id_mlp': jax.random.normal(ks[5], (NI, MLPD), dtype=jnp.float32) * 0.01,
        'user_text': jax.random.normal(ks[6], (NU, TD), dtype=jnp.float32),
        'item_text': jax.random.normal(ks[7], (NI, TD), dtype=jnp.float32),
        'user_ln_g': jnp.ones((TD,), dtype=jnp.float32),
        'user_ln_b': jnp.zeros((TD,), dtype=jnp.float32),
        'item_ln_g': jnp.ones((TD,), dtype=jnp.float32),
        'item_ln_b': jnp.zeros((TD,), dtype=jnp.float32),
        'W1': _xavier(ks[8], mlp_in, 512), 'b1': jnp.zeros((512,), dtype=jnp.float32),
        'W2': _xavier(ks[9], 512, 256), 'b2': jnp.zeros((256,), dtype=jnp.float32),
        'W3': _xavier(ks[10], 256, 128), 'b3': jnp.zeros((128,), dtype=jnp.float32),
        'W4': _xavier(ks[11], 128, 64), 'b4': jnp.zeros((64,), dtype=jnp.float32),
        'Wo': _xavier(ks[12], GMF + 64, 1), 'bo': jnp.zeros((1,), dtype=jnp.float32),
    }
    return inp


def _layernorm(x, g, b):
    m = jnp.mean(x, axis=-1, keepdims=True)
    v = jnp.var(x, axis=-1, keepdims=True)
    return (x - m) / jnp.sqrt(v + 1e-5) * g + b


def reference(users, items, user_id_gmf, item_id_gmf, user_id_mlp, item_id_mlp,
              user_text, item_text, user_ln_g, user_ln_b, item_ln_g, item_ln_b,
              W1, b1, W2, b2, W3, b3, W4, b4, Wo, bo):
    u_id_gmf = jnp.take(user_id_gmf, users, axis=0)
    i_id_gmf = jnp.take(item_id_gmf, items, axis=0)
    gmf_vec = u_id_gmf * i_id_gmf
    u_id_mlp = jnp.take(user_id_mlp, users, axis=0)
    i_id_mlp = jnp.take(item_id_mlp, items, axis=0)
    u_txt = _layernorm(jnp.take(user_text, users, axis=0), user_ln_g, user_ln_b)
    i_txt = _layernorm(jnp.take(item_text, items, axis=0), item_ln_g, item_ln_b)
    h = jnp.concatenate([u_id_mlp, i_id_mlp, u_txt, i_txt], axis=-1)
    h = jax.nn.relu(h @ W1 + b1)
    h = jax.nn.relu(h @ W2 + b2)
    h = jax.nn.relu(h @ W3 + b3)
    h = jax.nn.relu(h @ W4 + b4)
    fused = jnp.concatenate([gmf_vec, h], axis=-1)
    out = (fused @ Wo + bo).squeeze(-1)
    return out

if __name__ == "__main__":
    import jax
    _d = setup_inputs()
    print(jax.jit(kernel)(*tuple(_d.values())))

</pallas_src>

<mosaic_0001>
#map = affine_map<(d0, d1) -> (0)>
#map1 = affine_map<(d0, d1) -> (0, 0)>
module attributes {stable_mosaic.version = 14 : i64} {
  func.func @_sc_gather_body(%arg0: i32, %arg1: i32, %arg2: memref<16384xi32, #tpu.memory_space<hbm>>, %arg3: memref<16384xi32, #tpu.memory_space<hbm>>, %arg4: memref<1000000x32xf32, #tpu.memory_space<hbm>>, %arg5: memref<1000000x32xf32, #tpu.memory_space<hbm>>, %arg6: memref<1000000x32xf32, #tpu.memory_space<hbm>>, %arg7: memref<1000000x32xf32, #tpu.memory_space<hbm>>, %arg8: memref<1000000x64xf32, #tpu.memory_space<hbm>>, %arg9: memref<1000000x64xf32, #tpu.memory_space<hbm>>, %arg10: memref<16384x32xf32, #tpu.memory_space<hbm>>, %arg11: memref<16384x32xf32, #tpu.memory_space<hbm>>, %arg12: memref<16384x32xf32, #tpu.memory_space<hbm>>, %arg13: memref<16384x32xf32, #tpu.memory_space<hbm>>, %arg14: memref<16384x64xf32, #tpu.memory_space<hbm>>, %arg15: memref<16384x64xf32, #tpu.memory_space<hbm>>, %arg16: memref<512xi32, #tpu.memory_space<vmem>>, %arg17: memref<512xi32, #tpu.memory_space<vmem>>, %arg18: memref<256x32xf32, #tpu.memory_space<vmem>>, %arg19: memref<256x32xf32, #tpu.memory_space<vmem>>, %arg20: memref<256x32xf32, #tpu.memory_space<vmem>>, %arg21: memref<256x32xf32, #tpu.memory_space<vmem>>, %arg22: memref<256x64xf32, #tpu.memory_space<vmem>>, %arg23: memref<256x64xf32, #tpu.memory_space<vmem>>, %arg24: memref<!tpu.dma_semaphore, #tpu.memory_space<semaphore_mem>>) attributes {dimension_semantics = [#tpu.dimension_semantics<core_parallel>, #tpu.dimension_semantics<subcore_parallel>], iteration_bounds = array<i64: 2, 16>, scalar_prefetch = 0 : i64, scratch_operands = 9 : i64, tpu.core_type = #tpu.core_type<sc_vector_subcore>, window_params = [{transform_indices = #map}, {transform_indices = #map}, {transform_indices = #map1}, {transform_indices = #map1}, {transform_indices = #map1}, {transform_indices = #map1}, {transform_indices = #map1}, {transform_indices = #map1}, {transform_indices = #map1}, {transform_indices = #map1}, {transform_indices = #map1}, {transform_indices = #map1}, {transform_indices = #map1}, {transform_indices = #map1}]} {
    %mul3A = arith.constant 2 : i32
    %mul3A_0 = arith.muli %arg1, %mul3A : i32
    %add3A = arith.addi %mul3A_0, %arg0 : i32
    %mul3A_1 = arith.constant 512 : i32
    %mul3A_2 = arith.muli %add3A, %mul3A_1 : i32
    "tpu.region"() ({
      %run_scoped3A = tpu.sem_alloc : memref<!tpu.dma_semaphore, #tpu.memory_space<semaphore_mem>>
      %dma_start3A_389 = tpu.memref_slice %arg2[%mul3A_2] : memref<16384xi32, #tpu.memory_space<hbm>> -> memref<512xi32, #tpu.memory_space<hbm>>
      %dma_start3A_390 = tpu.memref_slice %arg2[%mul3A_2] : memref<16384xi32, #tpu.memory_space<hbm>> -> memref<512xi32, #tpu.memory_space<hbm>>
      tpu.enqueue_dma source(%dma_start3A_390 : memref<512xi32, #tpu.memory_space<hbm>>) target(%arg16 : memref<512xi32, #tpu.memory_space<vmem>>) target_semaphore(%run_scoped3A : memref<!tpu.dma_semaphore, #tpu.memory_space<semaphore_mem>>)
      %dma_wait3A_391 = tpu.memref_slice %arg2[%mul3A_2] : memref<16384xi32, #tpu.memory_space<hbm>> -> memref<512xi32, #tpu.memory_space<hbm>>
      %dma_wait3A_392 = tpu.memref_slice %arg2[%mul3A_2] : memref<16384xi32, #tpu.memory_space<hbm>> -> memref<512xi32, #tpu.memory_space<hbm>>
      tpu.wait_dma2 semaphore(%run_scoped3A : memref<!tpu.dma_semaphore, #tpu.memory_space<semaphore_mem>>) src(%dma_wait3A_392 : memref<512xi32, #tpu.memory_space<hbm>>) dst(%arg16 : memref<512xi32, #tpu.memory_space<vmem>>)
      tpu.yield
    }) : () -> ()
    "tpu.region"() ({
      %run_scoped3A = tpu.sem_alloc : memref<!tpu.dma_semaphore, #tpu.memory_space<semaphore_mem>>
      %dma_start3A_389 = tpu.memref_slice %arg3[%mul3A_2] : memref<16384xi32, #tpu.memory_space<hbm>> -> memref<512xi32, #tpu.memory_space<hbm>>
      %dma_start3A_390 = tpu.memref_slice %arg3[%mul3A_2] : memref<16384xi32, #tpu.memory_space<hbm>> -> memref<512xi32, #tpu.memory_space<hbm>>
      tpu.enqueue_dma source(%dma_start3A_390 : memref<512xi32, #tpu.memory_space<hbm>>) target(%arg17 : memref<512xi32, #tpu.memory_space<vmem>>) target_semaphore(%run_scoped3A : memref<!tpu.dma_semaphore, #tpu.memory_space<semaphore_mem>>)
      %dma_wait3A_391 = tpu.memref_slice %arg3[%mul3A_2] : memref<16384xi32, #tpu.memory_space<hbm>> -> memref<512xi32, #tpu.memory_space<hbm>>
      %dma_wait3A_392 = tpu.memref_slice %arg3[%mul3A_2] : memref<16384xi32, #tpu.memory_space<hbm>> -> memref<512xi32, #tpu.memory_space<hbm>>
      tpu.wait_dma2 semaphore(%run_scoped3A : memref<!tpu.dma_semaphore, #tpu.memory_space<semaphore_mem>>) src(%dma_wait3A_392 : memref<512xi32, #tpu.memory_space<hbm>>) dst(%arg17 : memref<512xi32, #tpu.memory_space<vmem>>)
      tpu.yield
    }) : () -> ()
    %dma_start3A = arith.constant 0 : i32
    %dma_start3A_3 = arith.constant 0 : i32
    %dma_start3A_4 = tpu.memref_slice %arg18[%dma_start3A, %dma_start3A_3] : memref<256x32xf32, #tpu.memory_space<vmem>> -> memref<128x32xf32, #tpu.memory_space<vmem>>
    %dma_start3A_5 = arith.constant 0 : i32
    %dma_start3A_6 = tpu.memref_slice %arg16[%dma_start3A_5] : memref<512xi32, #tpu.memory_space<vmem>> -> memref<128xi32, #tpu.memory_space<vmem>>
    %dma_start3A_7 = arith.constant 0 : i32
    %dma_start3A_8 = arith.constant 0 : i32
    %dma_start3A_9 = tpu.memref_slice %arg4[%dma_start3A_7, %dma_start3A_8] : memref<1000000x32xf32, #tpu.memory_space<hbm>> -> memref<1000000x32xf32, #tpu.memory_space<hbm>>
    tpu.enqueue_indirect_dma source(%dma_start3A_9 : memref<1000000x32xf32, #tpu.memory_space<hbm>>) target(%dma_start3A_4 : memref<128x32xf32, #tpu.memory_space<vmem>>) offsets(%dma_start3A_6 : memref<128xi32, #tpu.memory_space<vmem>>) semaphore(%arg24 : memref<!tpu.dma_semaphore, #tpu.memory_space<semaphore_mem>>)
    %dma_start3A_10 = arith.constant 0 : i32
    %dma_start3A_11 = arith.constant 0 : i32
    %dma_start3A_12 = tpu.memref_slice %arg19[%dma_start3A_10, %dma_start3A_11] : memref<256x32xf32, #tpu.memory_space<vmem>> -> memref<128x32xf32, #tpu.memory_space<vmem>>
    %dma_start3A_13 = arith.constant 0 : i32
    %dma_start3A_14 = tpu.memref_slice %arg17[%dma_start3A_13] : memref<512xi32, #tpu.memory_space<vmem>> -> memref<128xi32, #tpu.memory_space<vmem>>
    %dma_start3A_15 = arith.constant 0 : i32
    %dma_start3A_16 = arith.constant 0 : i32
    %dma_start3A_17 = tpu.memref_slice %arg5[%dma_start3A_15, %dma_start3A_16] : memref<1000000x32xf32, #tpu.memory_space<hbm>> -> memref<1000000x32xf32, #tpu.memory_space<hbm>>
    tpu.enqueue_indirect_dma source(%dma_start3A_17 : memref<1000000x32xf32, #tpu.memory_space<hbm>>) target(%dma_start3A_12 : memref<128x32xf32, #tpu.memory_space<vmem>>) offsets(%dma_start3A_14 : memref<128xi32, #tpu.memory_space<vmem>>) semaphore(%arg24 : memref<!tpu.dma_semaphore, #tpu.memory_space<semaphore_mem>>)
    %dma_start3A_18 = arith.constant 0 : i32
    %dma_start3A_19 = arith.constant 0 : i32
    %dma_start3A_20 = tpu.memref_slice %arg20[%dma_start3A_18, %dma_start3A_19] : memref<256x32xf32, #tpu.memory_space<vmem>> -> memref<128x32xf32, #tpu.memory_space<vmem>>
    %dma_start3A_21 = arith.constant 0 : i32
    %dma_start3A_22 = tpu.memref_slice %arg16[%dma_start3A_21] : memref<512xi32, #tpu.memory_space<vmem>> -> memref<128xi32, #tpu.memory_space<vmem>>
    %dma_start3A_23 = arith.constant 0 : i32
    %dma_start3A_24 = arith.constant 0 : i32
    %dma_start3A_25 = tpu.memref_slice %arg6[%dma_start3A_23, %dma_start3A_24] : memref<1000000x32xf32, #tpu.memory_space<hbm>> -> memref<1000000x32xf32, #tpu.memory_space<hbm>>
    tpu.enqueue_indirect_dma source(%dma_start3A_25 : memref<1000000x32xf32, #tpu.memory_space<hbm>>) target(%dma_start3A_20 : memref<128x32xf32, #tpu.memory_space<vmem>>) offsets(%dma_start3A_22 : memref<128xi32, #tpu.memory_space<vmem>>) semaphore(%arg24 : memref<!tpu.dma_semaphore, #tpu.memory_space<semaphore_mem>>)
    %dma_start3A_26 = arith.constant 0 : i32
    %dma_start3A_27 = arith.constant 0 : i32
    %dma_start3A_28 = tpu.memref_slice %arg21[%dma_start3A_26, %dma_start3A_27] : memref<256x32xf32, #tpu.memory_space<vmem>> -> memref<128x32xf32, #tpu.memory_space<vmem>>
    %dma_start3A_29 = arith.constant 0 : i32
    %dma_start3A_30 = tpu.memref_slice %arg17[%dma_start3A_29] : memref<512xi32, #tpu.memory_space<vmem>> -> memref<128xi32, #tpu.memory_space<vmem>>
    %dma_start3A_31 = arith.constant 0 : i32
    %dma_start3A_32 = arith.constant 0 : i32
    %dma_start3A_33 = tpu.memref_slice %arg7[%dma_start3A_31, %dma_start3A_32] : memref<1000000x32xf32, #tpu.memory_space<hbm>> -> memref<1000000x32xf32, #tpu.memory_space<hbm>>
    tpu.enqueue_indirect_dma source(%dma_start3A_33 : memref<1000000x32xf32, #tpu.memory_space<hbm>>) target(%dma_start3A_28 : memref<128x32xf32, #tpu.memory_space<vmem>>) offsets(%dma_start3A_30 : memref<128xi32, #tpu.memory_space<vmem>>) semaphore(%arg24 : memref<!tpu.dma_semaphore, #tpu.memory_space<semaphore_mem>>)
    %dma_start3A_34 = arith.constant 0 : i32
    %dma_start3A_35 = arith.constant 0 : i32
    %dma_start3A_36 = tpu.memref_slice %arg22[%dma_start3A_34, %dma_start3A_35] : memref<256x64xf32, #tpu.memory_space<vmem>> -> memref<128x64xf32, #tpu.memory_space<vmem>>
    %dma_start3A_37 = arith.constant 0 : i32
    %dma_start3A_38 = tpu.memref_slice %arg16[%dma_start3A_37] : memref<512xi32, #tpu.memory_space<vmem>> -> memref<128xi32, #tpu.memory_space<vmem>>
    %dma_start3A_39 = arith.constant 0 : i32
    %dma_start3A_40 = arith.constant 0 : i32
    %dma_start3A_41 = tpu.memref_slice %arg8[%dma_start3A_39, %dma_start3A_40] : memref<1000000x64xf32, #tpu.memory_space<hbm>> -> memref<1000000x64xf32, #tpu.memory_space<hbm>>
    tpu.enqueue_indirect_dma source(%dma_start3A_41 : memref<1000000x64xf32, #tpu.memory_space<hbm>>) target(%dma_start3A_36 : memref<128x64xf32, #tpu.memory_space<vmem>>) offsets(%dma_start3A_38 : memref<128xi32, #tpu.memory_space<vmem>>) semaphore(%arg24 : memref<!tpu.dma_semaphore, #tpu.memory_space<semaphore_mem>>)
    %dma_start3A_42 = arith.constant 0 : i32
    %dma_start3A_43 = arith.constant 0 : i32
    %dma_start3A_44 = tpu.memref_slice %arg23[%dma_start3A_42, %dma_start3A_43] : memref<256x64xf32, #tpu.memory_space<vmem>> -> memref<128x64xf32, #tpu.memory_space<vmem>>
    %dma_start3A_45 = arith.constant 0 : i32
    %dma_start3A_46 = tpu.memref_slice %arg17[%dma_start3A_45] : memref<512xi32, #tpu.memory_space<vmem>> -> memref<128xi32, #tpu.memory_space<vmem>>
    %dma_start3A_47 = arith.constant 0 : i32
    %dma_start3A_48 = arith.constant 0 : i32
    %dma_start3A_49 = tpu.memref_slice %arg9[%dma_start3A_47, %dma_start3A_48] : memref<1000000x64xf32, #tpu.memory_space<hbm>> -> memref<1000000x64xf32, #tpu.memory_space<hbm>>
    tpu.enqueue_indirect_dma source(%dma_start3A_49 : memref<1000000x64xf32, #tpu.memory_space<hbm>>) target(%dma_start3A_44 : memref<128x64xf32, #tpu.memory_space<vmem>>) offsets(%dma_start3A_46 : memref<128xi32, #tpu.memory_space<vmem>>) semaphore(%arg24 : memref<!tpu.dma_semaphore, #tpu.memory_space<semaphore_mem>>)
    %dma_start3A_50 = arith.constant 128 : i32
    %dma_start3A_51 = arith.constant 0 : i32
    %dma_start3A_52 = tpu.memref_slice %arg18[%dma_start3A_50, %dma_start3A_51] : memref<256x32xf32, #tpu.memory_space<vmem>> -> memref<128x32xf32, #tpu.memory_space<vmem>>
    %dma_start3A_53 = arith.constant 128 : i32
    %dma_start3A_54 = tpu.memref_slice %arg16[%dma_start3A_53] : memref<512xi32, #tpu.memory_space<vmem>> -> memref<128xi32, #tpu.memory_space<vmem>>
    %dma_start3A_55 = arith.constant 0 : i32
    %dma_start3A_56 = arith.constant 0 : i32
    %dma_start3A_57 = tpu.memref_slice %arg4[%dma_start3A_55, %dma_start3A_56] : memref<1000000x32xf32, #tpu.memory_space<hbm>> -> memref<1000000x32xf32, #tpu.memory_space<hbm>>
    tpu.enqueue_indirect_dma source(%dma_start3A_57 : memref<1000000x32xf32, #tpu.memory_space<hbm>>) target(%dma_start3A_52 : memref<128x32xf32, #tpu.memory_space<vmem>>) offsets(%dma_start3A_54 : memref<128xi32, #tpu.memory_space<vmem>>) semaphore(%arg24 : memref<!tpu.dma_semaphore, #tpu.memory_space<semaphore_mem>>)
    %dma_start3A_58 = arith.constant 128 : i32
    %dma_start3A_59 = arith.constant 0 : i32
    %dma_start3A_60 = tpu.memref_slice %arg19[%dma_start3A_58, %dma_start3A_59] : memref<256x32xf32, #tpu.memory_space<vmem>> -> memref<128x32xf32, #tpu.memory_space<vmem>>
    %dma_start3A_61 = arith.constant 128 : i32
    %dma_start3A_62 = tpu.memref_slice %arg17[%dma_start3A_61] : memref<512xi32, #tpu.memory_space<vmem>> -> memref<128xi32, #tpu.memory_space<vmem>>
    %dma_start3A_63 = arith.constant 0 : i32
    %dma_start3A_64 = arith.constant 0 : i32
    %dma_start3A_65 = tpu.memref_slice %arg5[%dma_start3A_63, %dma_start3A_64] : memref<1000000x32xf32, #tpu.memory_space<hbm>> -> memref<1000000x32xf32, #tpu.memory_space<hbm>>
    tpu.enqueue_indirect_dma source(%dma_start3A_65 : memref<1000000x32xf32, #tpu.memory_space<hbm>>) target(%dma_start3A_60 : memref<128x32xf32, #tpu.memory_space<vmem>>) offsets(%dma_start3A_62 : memref<128xi32, #tpu.memory_space<vmem>>) semaphore(%arg24 : memref<!tpu.dma_semaphore, #tpu.memory_space<semaphore_mem>>)
    %dma_start3A_66 = arith.constant 128 : i32
    %dma_start3A_67 = arith.constant 0 : i32
    %dma_start3A_68 = tpu.memref_slice %arg20[%dma_start3A_66, %dma_start3A_67] : memref<256x32xf32, #tpu.memory_space<vmem>> -> memref<128x32xf32, #tpu.memory_space<vmem>>
    %dma_start3A_69 = arith.constant 128 : i32
    %dma_start3A_70 = tpu.memref_slice %arg16[%dma_start3A_69] : memref<512xi32, #tpu.memory_space<vmem>> -> memref<128xi32, #tpu.memory_space<vmem>>
    %dma_start3A_71 = arith.constant 0 : i32
    %dma_start3A_72 = arith.constant 0 : i32
    %dma_start3A_73 = tpu.memref_slice %arg6[%dma_start3A_71, %dma_start3A_72] : memref<1000000x32xf32, #tpu.memory_space<hbm>> -> memref<1000000x32xf32, #tpu.memory_space<hbm>>
    tpu.enqueue_indirect_dma source(%dma_start3A_73 : memref<1000000x32xf32, #tpu.memory_space<hbm>>) target(%dma_start3A_68 : memref<128x32xf32, #tpu.memory_space<vmem>>) offsets(%dma_start3A_70 : memref<128xi32, #tpu.memory_space<vmem>>) semaphore(%arg24 : memref<!tpu.dma_semaphore, #tpu.memory_space<semaphore_mem>>)
    %dma_start3A_74 = arith.constant 128 : i32
    %dma_start3A_75 = arith.constant 0 : i32
    %dma_start3A_76 = tpu.memref_slice %arg21[%dma_start3A_74, %dma_start3A_75] : memref<256x32xf32, #tpu.memory_space<vmem>> -> memref<128x32xf32, #tpu.memory_space<vmem>>
    %dma_start3A_77 = arith.constant 128 : i32
    %dma_start3A_78 = tpu.memref_slice %arg17[%dma_start3A_77] : memref<512xi32, #tpu.memory_space<vmem>> -> memref<128xi32, #tpu.memory_space<vmem>>
    %dma_start3A_79 = arith.constant 0 : i32
    %dma_start3A_80 = arith.constant 0 : i32
    %dma_start3A_81 = tpu.memref_slice %arg7[%dma_start3A_79, %dma_start3A_80] : memref<1000000x32xf32, #tpu.memory_space<hbm>> -> memref<1000000x32xf32, #tpu.memory_space<hbm>>
    tpu.enqueue_indirect_dma source(%dma_start3A_81 : memref<1000000x32xf32, #tpu.memory_space<hbm>>) target(%dma_start3A_76 : memref<128x32xf32, #tpu.memory_space<vmem>>) offsets(%dma_start3A_78 : memref<128xi32, #tpu.memory_space<vmem>>) semaphore(%arg24 : memref<!tpu.dma_semaphore, #tpu.memory_space<semaphore_mem>>)
    %dma_start3A_82 = arith.constant 128 : i32
    %dma_start3A_83 = arith.constant 0 : i32
    %dma_start3A_84 = tpu.memref_slice %arg22[%dma_start3A_82, %dma_start3A_83] : memref<256x64xf32, #tpu.memory_space<vmem>> -> memref<128x64xf32, #tpu.memory_space<vmem>>
    %dma_start3A_85 = arith.constant 128 : i32
    %dma_start3A_86 = tpu.memref_slice %arg16[%dma_start3A_85] : memref<512xi32, #tpu.memory_space<vmem>> -> memref<128xi32, #tpu.memory_space<vmem>>
    %dma_start3A_87 = arith.constant 0 : i32
    %dma_start3A_88 = arith.constant 0 : i32
    %dma_start3A_89 = tpu.memref_slice %arg8[%dma_start3A_87, %dma_start3A_88] : memref<1000000x64xf32, #tpu.memory_space<hbm>> -> memref<1000000x64xf32, #tpu.memory_space<hbm>>
    tpu.enqueue_indirect_dma source(%dma_start3A_89 : memref<1000000x64xf32, #tpu.memory_space<hbm>>) target(%dma_start3A_84 : memref<128x64xf32, #tpu.memory_space<vmem>>) offsets(%dma_start3A_86 : memref<128xi32, #tpu.memory_space<vmem>>) semaphore(%arg24 : memref<!tpu.dma_semaphore, #tpu.memory_space<semaphore_mem>>)
    %dma_start3A_90 = arith.constant 128 : i32
    %dma_start3A_91 = arith.constant 0 : i32
    %dma_start3A_92 = tpu.memref_slice %arg23[%dma_start3A_90, %dma_start3A_91] : memref<256x64xf32, #tpu.memory_space<vmem>> -> memref<128x64xf32, #tpu.memory_space<vmem>>
    %dma_start3A_93 = arith.constant 128 : i32
    %dma_start3A_94 = tpu.memref_slice %arg17[%dma_start3A_93] : memref<512xi32, #tpu.memory_space<vmem>> -> memref<128xi32, #tpu.memory_space<vmem>>
    %dma_start3A_95 = arith.constant 0 : i32
    %dma_start3A_96 = arith.constant 0 : i32
    %dma_start3A_97 = tpu.memref_slice %arg9[%dma_start3A_95, %dma_start3A_96] : memref<1000000x64xf32, #tpu.memory_space<hbm>> -> memref<1000000x64xf32, #tpu.memory_space<hbm>>
    tpu.enqueue_indirect_dma source(%dma_start3A_97 : memref<1000000x64xf32, #tpu.memory_space<hbm>>) target(%dma_start3A_92 : memref<128x64xf32, #tpu.memory_space<vmem>>) offsets(%dma_start3A_94 : memref<128xi32, #tpu.memory_space<vmem>>) semaphore(%arg24 : memref<!tpu.dma_semaphore, #tpu.memory_space<semaphore_mem>>)
    %dma_wait3A = arith.constant 0 : i32
    %dma_wait3A_98 = arith.constant 0 : i32
    %dma_wait3A_99 = tpu.memref_slice %arg18[%dma_wait3A, %dma_wait3A_98] : memref<256x32xf32, #tpu.memory_space<vmem>> -> memref<128x32xf32, #tpu.memory_space<vmem>>
    %dma_wait3A_100 = arith.constant 0 : i32
    %dma_wait3A_101 = tpu.memref_slice %arg16[%dma_wait3A_100] : memref<512xi32, #tpu.memory_space<vmem>> -> memref<128xi32, #tpu.memory_space<vmem>>
    %dma_wait3A_102 = arith.constant 0 : i32
    %dma_wait3A_103 = arith.constant 0 : i32
    %dma_wait3A_104 = tpu.memref_slice %arg4[%dma_wait3A_102, %dma_wait3A_103] : memref<1000000x32xf32, #tpu.memory_space<hbm>> -> memref<1000000x32xf32, #tpu.memory_space<hbm>>
    tpu.wait_indirect_dma semaphore(%arg24 : memref<!tpu.dma_semaphore, #tpu.memory_space<semaphore_mem>>) src(%dma_wait3A_104 : memref<1000000x32xf32, #tpu.memory_space<hbm>>) dst(%dma_wait3A_99 : memref<128x32xf32, #tpu.memory_space<vmem>>)
    %dma_wait3A_105 = arith.constant 0 : i32
    %dma_wait3A_106 = arith.constant 0 : i32
    %dma_wait3A_107 = tpu.memref_slice %arg19[%dma_wait3A_105, %dma_wait3A_106] : memref<256x32xf32, #tpu.memory_space<vmem>> -> memref<128x32xf32, #tpu.memory_space<vmem>>
    %dma_wait3A_108 = arith.constant 0 : i32
    %dma_wait3A_109 = tpu.memref_slice %arg17[%dma_wait3A_108] : memref<512xi32, #tpu.memory_space<vmem>> -> memref<128xi32, #tpu.memory_space<vmem>>
    %dma_wait3A_110 = arith.constant 0 : i32
    %dma_wait3A_111 = arith.constant 0 : i32
    %dma_wait3A_112 = tpu.memref_slice %arg5[%dma_wait3A_110, %dma_wait3A_111] : memref<1000000x32xf32, #tpu.memory_space<hbm>> -> memref<1000000x32xf32, #tpu.memory_space<hbm>>
    tpu.wait_indirect_dma semaphore(%arg24 : memref<!tpu.dma_semaphore, #tpu.memory_space<semaphore_mem>>) src(%dma_wait3A_112 : memref<1000000x32xf32, #tpu.memory_space<hbm>>) dst(%dma_wait3A_107 : memref<128x32xf32, #tpu.memory_space<vmem>>)
    %dma_wait3A_113 = arith.constant 0 : i32
    %dma_wait3A_114 = arith.constant 0 : i32
    %dma_wait3A_115 = tpu.memref_slice %arg20[%dma_wait3A_113, %dma_wait3A_114] : memref<256x32xf32, #tpu.memory_space<vmem>> -> memref<128x32xf32, #tpu.memory_space<vmem>>
    %dma_wait3A_116 = arith.constant 0 : i32
    %dma_wait3A_117 = tpu.memref_slice %arg16[%dma_wait3A_116] : memref<512xi32, #tpu.memory_space<vmem>> -> memref<128xi32, #tpu.memory_space<vmem>>
    %dma_wait3A_118 = arith.constant 0 : i32
    %dma_wait3A_119 = arith.constant 0 : i32
    %dma_wait3A_120 = tpu.memref_slice %arg6[%dma_wait3A_118, %dma_wait3A_119] : memref<1000000x32xf32, #tpu.memory_space<hbm>> -> memref<1000000x32xf32, #tpu.memory_space<hbm>>
    tpu.wait_indirect_dma semaphore(%arg24 : memref<!tpu.dma_semaphore, #tpu.memory_space<semaphore_mem>>) src(%dma_wait3A_120 : memref<1000000x32xf32, #tpu.memory_space<hbm>>) dst(%dma_wait3A_115 : memref<128x32xf32, #tpu.memory_space<vmem>>)
    %dma_wait3A_121 = arith.constant 0 : i32
    %dma_wait3A_122 = arith.constant 0 : i32
    %dma_wait3A_123 = tpu.memref_slice %arg21[%dma_wait3A_121, %dma_wait3A_122] : memref<256x32xf32, #tpu.memory_space<vmem>> -> memref<128x32xf32, #tpu.memory_space<vmem>>
    %dma_wait3A_124 = arith.constant 0 : i32
    %dma_wait3A_125 = tpu.memref_slice %arg17[%dma_wait3A_124] : memref<512xi32, #tpu.memory_space<vmem>> -> memref<128xi32, #tpu.memory_space<vmem>>
    %dma_wait3A_126 = arith.constant 0 : i32
    %dma_wait3A_127 = arith.constant 0 : i32
    %dma_wait3A_128 = tpu.memref_slice %arg7[%dma_wait3A_126, %dma_wait3A_127] : memref<1000000x32xf32, #tpu.memory_space<hbm>> -> memref<1000000x32xf32, #tpu.memory_space<hbm>>
    tpu.wait_indirect_dma semaphore(%arg24 : memref<!tpu.dma_semaphore, #tpu.memory_space<semaphore_mem>>) src(%dma_wait3A_128 : memref<1000000x32xf32, #tpu.memory_space<hbm>>) dst(%dma_wait3A_123 : memref<128x32xf32, #tpu.memory_space<vmem>>)
    %dma_wait3A_129 = arith.constant 0 : i32
    %dma_wait3A_130 = arith.constant 0 : i32
    %dma_wait3A_131 = tpu.memref_slice %arg22[%dma_wait3A_129, %dma_wait3A_130] : memref<256x64xf32, #tpu.memory_space<vmem>> -> memref<128x64xf32, #tpu.memory_space<vmem>>
    %dma_wait3A_132 = arith.constant 0 : i32
    %dma_wait3A_133 = tpu.memref_slice %arg16[%dma_wait3A_132] : memref<512xi32, #tpu.memory_space<vmem>> -> memref<128xi32, #tpu.memory_space<vmem>>
    %dma_wait3A_134 = arith.constant 0 : i32
    %dma_wait3A_135 = arith.constant 0 : i32
    %dma_wait3A_136 = tpu.memref_slice %arg8[%dma_wait3A_134, %dma_wait3A_135] : memref<1000000x64xf32, #tpu.memory_space<hbm>> -> memref<1000000x64xf32, #tpu.memory_space<hbm>>
    tpu.wait_indirect_dma semaphore(%arg24 : memref<!tpu.dma_semaphore, #tpu.memory_space<semaphore_mem>>) src(%dma_wait3A_136 : memref<1000000x64xf32, #tpu.memory_space<hbm>>) dst(%dma_wait3A_131 : memref<128x64xf32, #tpu.memory_space<vmem>>)
    %dma_wait3A_137 = arith.constant 0 : i32
    %dma_wait3A_138 = arith.constant 0 : i32
    %dma_wait3A_139 = tpu.memref_slice %arg23[%dma_wait3A_137, %dma_wait3A_138] : memref<256x64xf32, #tpu.memory_space<vmem>> -> memref<128x64xf32, #tpu.memory_space<vmem>>
    %dma_wait3A_140 = arith.constant 0 : i32
    %dma_wait3A_141 = tpu.memref_slice %arg17[%dma_wait3A_140] : memref<512xi32, #tpu.memory_space<vmem>> -> memref<128xi32, #tpu.memory_space<vmem>>
    %dma_wait3A_142 = arith.constant 0 : i32
    %dma_wait3A_143 = arith.constant 0 : i32
    %dma_wait3A_144 = tpu.memref_slice %arg9[%dma_wait3A_142, %dma_wait3A_143] : memref<1000000x64xf32, #tpu.memory_space<hbm>> -> memref<1000000x64xf32, #tpu.memory_space<hbm>>
    tpu.wait_indirect_dma semaphore(%arg24 : memref<!tpu.dma_semaphore, #tpu.memory_space<semaphore_mem>>) src(%dma_wait3A_144 : memref<1000000x64xf32, #tpu.memory_space<hbm>>) dst(%dma_wait3A_139 : memref<128x64xf32, #tpu.memory_space<vmem>>)
    %dma_wait3A_145 = arith.constant 128 : i32
    %dma_wait3A_146 = arith.constant 0 : i32
    %dma_wait3A_147 = tpu.memref_slice %arg18[%dma_wait3A_145, %dma_wait3A_146] : memref<256x32xf32, #tpu.memory_space<vmem>> -> memref<128x32xf32, #tpu.memory_space<vmem>>
    %dma_wait3A_148 = arith.constant 128 : i32
    %dma_wait3A_149 = tpu.memref_slice %arg16[%dma_wait3A_148] : memref<512xi32, #tpu.memory_space<vmem>> -> memref<128xi32, #tpu.memory_space<vmem>>
    %dma_wait3A_150 = arith.constant 0 : i32
    %dma_wait3A_151 = arith.constant 0 : i32
    %dma_wait3A_152 = tpu.memref_slice %arg4[%dma_wait3A_150, %dma_wait3A_151] : memref<1000000x32xf32, #tpu.memory_space<hbm>> -> memref<1000000x32xf32, #tpu.memory_space<hbm>>
    tpu.wait_indirect_dma semaphore(%arg24 : memref<!tpu.dma_semaphore, #tpu.memory_space<semaphore_mem>>) src(%dma_wait3A_152 : memref<1000000x32xf32, #tpu.memory_space<hbm>>) dst(%dma_wait3A_147 : memref<128x32xf32, #tpu.memory_space<vmem>>)
    %dma_wait3A_153 = arith.constant 128 : i32
    %dma_wait3A_154 = arith.constant 0 : i32
    %dma_wait3A_155 = tpu.memref_slice %arg19[%dma_wait3A_153, %dma_wait3A_154] : memref<256x32xf32, #tpu.memory_space<vmem>> -> memref<128x32xf32, #tpu.memory_space<vmem>>
    %dma_wait3A_156 = arith.constant 128 : i32
    %dma_wait3A_157 = tpu.memref_slice %arg17[%dma_wait3A_156] : memref<512xi32, #tpu.memory_space<vmem>> -> memref<128xi32, #tpu.memory_space<vmem>>
    %dma_wait3A_158 = arith.constant 0 : i32
    %dma_wait3A_159 = arith.constant 0 : i32
    %dma_wait3A_160 = tpu.memref_slice %arg5[%dma_wait3A_158, %dma_wait3A_159] : memref<1000000x32xf32, #tpu.memory_space<hbm>> -> memref<1000000x32xf32, #tpu.memory_space<hbm>>
    tpu.wait_indirect_dma semaphore(%arg24 : memref<!tpu.dma_semaphore, #tpu.memory_space<semaphore_mem>>) src(%dma_wait3A_160 : memref<1000000x32xf32, #tpu.memory_space<hbm>>) dst(%dma_wait3A_155 : memref<128x32xf32, #tpu.memory_space<vmem>>)
    %dma_wait3A_161 = arith.constant 128 : i32
    %dma_wait3A_162 = arith.constant 0 : i32
    %dma_wait3A_163 = tpu.memref_slice %arg20[%dma_wait3A_161, %dma_wait3A_162] : memref<256x32xf32, #tpu.memory_space<vmem>> -> memref<128x32xf32, #tpu.memory_space<vmem>>
    %dma_wait3A_164 = arith.constant 128 : i32
    %dma_wait3A_165 = tpu.memref_slice %arg16[%dma_wait3A_164] : memref<512xi32, #tpu.memory_space<vmem>> -> memref<128xi32, #tpu.memory_space<vmem>>
    %dma_wait3A_166 = arith.constant 0 : i32
    %dma_wait3A_167 = arith.constant 0 : i32
    %dma_wait3A_168 = tpu.memref_slice %arg6[%dma_wait3A_166, %dma_wait3A_167] : memref<1000000x32xf32, #tpu.memory_space<hbm>> -> memref<1000000x32xf32, #tpu.memory_space<hbm>>
    tpu.wait_indirect_dma semaphore(%arg24 : memref<!tpu.dma_semaphore, #tpu.memory_space<semaphore_mem>>) src(%dma_wait3A_168 : memref<1000000x32xf32, #tpu.memory_space<hbm>>) dst(%dma_wait3A_163 : memref<128x32xf32, #tpu.memory_space<vmem>>)
    %dma_wait3A_169 = arith.constant 128 : i32
    %dma_wait3A_170 = arith.constant 0 : i32
    %dma_wait3A_171 = tpu.memref_slice %arg21[%dma_wait3A_169, %dma_wait3A_170] : memref<256x32xf32, #tpu.memory_space<vmem>> -> memref<128x32xf32, #tpu.memory_space<vmem>>
    %dma_wait3A_172 = arith.constant 128 : i32
    %dma_wait3A_173 = tpu.memref_slice %arg17[%dma_wait3A_172] : memref<512xi32, #tpu.memory_space<vmem>> -> memref<128xi32, #tpu.memory_space<vmem>>
    %dma_wait3A_174 = arith.constant 0 : i32
    %dma_wait3A_175 = arith.constant 0 : i32
    %dma_wait3A_176 = tpu.memref_slice %arg7[%dma_wait3A_174, %dma_wait3A_175] : memref<1000000x32xf32, #tpu.memory_space<hbm>> -> memref<1000000x32xf32, #tpu.memory_space<hbm>>
    tpu.wait_indirect_dma semaphore(%arg24 : memref<!tpu.dma_semaphore, #tpu.memory_space<semaphore_mem>>) src(%dma_wait3A_176 : memref<1000000x32xf32, #tpu.memory_space<hbm>>) dst(%dma_wait3A_171 : memref<128x32xf32, #tpu.memory_space<vmem>>)
    %dma_wait3A_177 = arith.constant 128 : i32
    %dma_wait3A_178 = arith.constant 0 : i32
    %dma_wait3A_179 = tpu.memref_slice %arg22[%dma_wait3A_177, %dma_wait3A_178] : memref<256x64xf32, #tpu.memory_space<vmem>> -> memref<128x64xf32, #tpu.memory_space<vmem>>
    %dma_wait3A_180 = arith.constant 128 : i32
    %dma_wait3A_181 = tpu.memref_slice %arg16[%dma_wait3A_180] : memref<512xi32, #tpu.memory_space<vmem>> -> memref<128xi32, #tpu.memory_space<vmem>>
    %dma_wait3A_182 = arith.constant 0 : i32
    %dma_wait3A_183 = arith.constant 0 : i32
    %dma_wait3A_184 = tpu.memref_slice %arg8[%dma_wait3A_182, %dma_wait3A_183] : memref<1000000x64xf32, #tpu.memory_space<hbm>> -> memref<1000000x64xf32, #tpu.memory_space<hbm>>
    tpu.wait_indirect_dma semaphore(%arg24 : memref<!tpu.dma_semaphore, #tpu.memory_space<semaphore_mem>>) src(%dma_wait3A_184 : memref<1000000x64xf32, #tpu.memory_space<hbm>>) dst(%dma_wait3A_179 : memref<128x64xf32, #tpu.memory_space<vmem>>)
    %dma_wait3A_185 = arith.constant 128 : i32
    %dma_wait3A_186 = arith.constant 0 : i32
    %dma_wait3A_187 = tpu.memref_slice %arg23[%dma_wait3A_185, %dma_wait3A_186] : memref<256x64xf32, #tpu.memory_space<vmem>> -> memref<128x64xf32, #tpu.memory_space<vmem>>
    %dma_wait3A_188 = arith.constant 128 : i32
    %dma_wait3A_189 = tpu.memref_slice %arg17[%dma_wait3A_188] : memref<512xi32, #tpu.memory_space<vmem>> -> memref<128xi32, #tpu.memory_space<vmem>>
    %dma_wait3A_190 = arith.constant 0 : i32
    %dma_wait3A_191 = arith.constant 0 : i32
    %dma_wait3A_192 = tpu.memref_slice %arg9[%dma_wait3A_190, %dma_wait3A_191] : memref<1000000x64xf32, #tpu.memory_space<hbm>> -> memref<1000000x64xf32, #tpu.memory_space<hbm>>
    tpu.wait_indirect_dma semaphore(%arg24 : memref<!tpu.dma_semaphore, #tpu.memory_space<semaphore_mem>>) src(%dma_wait3A_192 : memref<1000000x64xf32, #tpu.memory_space<hbm>>) dst(%dma_wait3A_187 : memref<128x64xf32, #tpu.memory_space<vmem>>)
    %add3A_193 = arith.constant 0 : i32
    %add3A_194 = arith.addi %mul3A_2, %add3A_193 : i32
    "tpu.region"() ({
      %run_scoped3A = tpu.sem_alloc : memref<!tpu.dma_semaphore, #tpu.memory_space<semaphore_mem>>
      %dma_start3A_389 = arith.constant 0 : i32
      %dma_start3A_390 = tpu.memref_slice %arg10[%add3A_194, %dma_start3A_389] : memref<16384x32xf32, #tpu.memory_space<hbm>> -> memref<256x32xf32, #tpu.memory_space<hbm>>
      %dma_start3A_391 = arith.constant 0 : i32
      %dma_start3A_392 = tpu.memref_slice %arg10[%add3A_194, %dma_start3A_391] : memref<16384x32xf32, #tpu.memory_space<hbm>> -> memref<256x32xf32, #tpu.memory_space<hbm>>
      tpu.enqueue_dma source(%arg18 : memref<256x32xf32, #tpu.memory_space<vmem>>) target(%dma_start3A_392 : memref<256x32xf32, #tpu.memory_space<hbm>>) target_semaphore(%run_scoped3A : memref<!tpu.dma_semaphore, #tpu.memory_space<semaphore_mem>>)
      %dma_wait3A_393 = arith.constant 0 : i32
      %dma_wait3A_394 = tpu.memref_slice %arg10[%add3A_194, %dma_wait3A_393] : memref<16384x32xf32, #tpu.memory_space<hbm>> -> memref<256x32xf32, #tpu.memory_space<hbm>>
      %dma_wait3A_395 = arith.constant 0 : i32
      %dma_wait3A_396 = tpu.memref_slice %arg10[%add3A_194, %dma_wait3A_395] : memref<16384x32xf32, #tpu.memory_space<hbm>> -> memref<256x32xf32, #tpu.memory_space<hbm>>
      tpu.wait_dma2 semaphore(%run_scoped3A : memref<!tpu.dma_semaphore, #tpu.memory_space<semaphore_mem>>) src(%arg18 : memref<256x32xf32, #tpu.memory_space<vmem>>) dst(%dma_wait3A_396 : memref<256x32xf32, #tpu.memory_space<hbm>>)
      tpu.yield
    }) : () -> ()
    "tpu.region"() ({
      %run_scoped3A = tpu.sem_alloc : memref<!tpu.dma_semaphore, #tpu.memory_space<semaphore_mem>>
      %dma_start3A_389 = arith.constant 0 : i32
      %dma_start3A_390 = tpu.memref_slice %arg11[%add3A_194, %dma_start3A_389] : memref<16384x32xf32, #tpu.memory_space<hbm>> -> memref<256x32xf32, #tpu.memory_space<hbm>>
      %dma_start3A_391 = arith.constant 0 : i32
      %dma_start3A_392 = tpu.memref_slice %arg11[%add3A_194, %dma_start3A_391] : memref<16384x32xf32, #tpu.memory_space<hbm>> -> memref<256x32xf32, #tpu.memory_space<hbm>>
      tpu.enqueue_dma source(%arg19 : memref<256x32xf32, #tpu.memory_space<vmem>>) target(%dma_start3A_392 : memref<256x32xf32, #tpu.memory_space<hbm>>) target_semaphore(%run_scoped3A : memref<!tpu.dma_semaphore, #tpu.memory_space<semaphore_mem>>)
      %dma_wait3A_393 = arith.constant 0 : i32
      %dma_wait3A_394 = tpu.memref_slice %arg11[%add3A_194, %dma_wait3A_393] : memref<16384x32xf32, #tpu.memory_space<hbm>> -> memref<256x32xf32, #tpu.memory_space<hbm>>
      %dma_wait3A_395 = arith.constant 0 : i32
      %dma_wait3A_396 = tpu.memref_slice %arg11[%add3A_194, %dma_wait3A_395] : memref<16384x32xf32, #tpu.memory_space<hbm>> -> memref<256x32xf32, #tpu.memory_space<hbm>>
      tpu.wait_dma2 semaphore(%run_scoped3A : memref<!tpu.dma_semaphore, #tpu.memory_space<semaphore_mem>>) src(%arg19 : memref<256x32xf32, #tpu.memory_space<vmem>>) dst(%dma_wait3A_396 : memref<256x32xf32, #tpu.memory_space<hbm>>)
      tpu.yield
    }) : () -> ()
    "tpu.region"() ({
      %run_scoped3A = tpu.sem_alloc : memref<!tpu.dma_semaphore, #tpu.memory_space<semaphore_mem>>
      %dma_start3A_389 = arith.constant 0 : i32
      %dma_start3A_390 = tpu.memref_slice %arg12[%add3A_194, %dma_start3A_389] : memref<16384x32xf32, #tpu.memory_space<hbm>> -> memref<256x32xf32, #tpu.memory_space<hbm>>
      %dma_start3A_391 = arith.constant 0 : i32
      %dma_start3A_392 = tpu.memref_slice %arg12[%add3A_194, %dma_start3A_391] : memref<16384x32xf32, #tpu.memory_space<hbm>> -> memref<256x32xf32, #tpu.memory_space<hbm>>
      tpu.enqueue_dma source(%arg20 : memref<256x32xf32, #tpu.memory_space<vmem>>) target(%dma_start3A_392 : memref<256x32xf32, #tpu.memory_space<hbm>>) target_semaphore(%run_scoped3A : memref<!tpu.dma_semaphore, #tpu.memory_space<semaphore_mem>>)
      %dma_wait3A_393 = arith.constant 0 : i32
      %dma_wait3A_394 = tpu.memref_slice %arg12[%add3A_194, %dma_wait3A_393] : memref<16384x32xf32, #tpu.memory_space<hbm>> -> memref<256x32xf32, #tpu.memory_space<hbm>>
      %dma_wait3A_395 = arith.constant 0 : i32
      %dma_wait3A_396 = tpu.memref_slice %arg12[%add3A_194, %dma_wait3A_395] : memref<16384x32xf32, #tpu.memory_space<hbm>> -> memref<256x32xf32, #tpu.memory_space<hbm>>
      tpu.wait_dma2 semaphore(%run_scoped3A : memref<!tpu.dma_semaphore, #tpu.memory_space<semaphore_mem>>) src(%arg20 : memref<256x32xf32, #tpu.memory_space<vmem>>) dst(%dma_wait3A_396 : memref<256x32xf32, #tpu.memory_space<hbm>>)
      tpu.yield
    }) : () -> ()
    "tpu.region"() ({
      %run_scoped3A = tpu.sem_alloc : memref<!tpu.dma_semaphore, #tpu.memory_space<semaphore_mem>>
      %dma_start3A_389 = arith.constant 0 : i32
      %dma_start3A_390 = tpu.memref_slice %arg13[%add3A_194, %dma_start3A_389] : memref<16384x32xf32, #tpu.memory_space<hbm>> -> memref<256x32xf32, #tpu.memory_space<hbm>>
      %dma_start3A_391 = arith.constant 0 : i32
      %dma_start3A_392 = tpu.memref_slice %arg13[%add3A_194, %dma_start3A_391] : memref<16384x32xf32, #tpu.memory_space<hbm>> -> memref<256x32xf32, #tpu.memory_space<hbm>>
      tpu.enqueue_dma source(%arg21 : memref<256x32xf32, #tpu.memory_space<vmem>>) target(%dma_start3A_392 : memref<256x32xf32, #tpu.memory_space<hbm>>) target_semaphore(%run_scoped3A : memref<!tpu.dma_semaphore, #tpu.memory_space<semaphore_mem>>)
      %dma_wait3A_393 = arith.constant 0 : i32
      %dma_wait3A_394 = tpu.memref_slice %arg13[%add3A_194, %dma_wait3A_393] : memref<16384x32xf32, #tpu.memory_space<hbm>> -> memref<256x32xf32, #tpu.memory_space<hbm>>
      %dma_wait3A_395 = arith.constant 0 : i32
      %dma_wait3A_396 = tpu.memref_slice %arg13[%add3A_194, %dma_wait3A_395] : memref<16384x32xf32, #tpu.memory_space<hbm>> -> memref<256x32xf32, #tpu.memory_space<hbm>>
      tpu.wait_dma2 semaphore(%run_scoped3A : memref<!tpu.dma_semaphore, #tpu.memory_space<semaphore_mem>>) src(%arg21 : memref<256x32xf32, #tpu.memory_space<vmem>>) dst(%dma_wait3A_396 : memref<256x32xf32, #tpu.memory_space<hbm>>)
      tpu.yield
    }) : () -> ()
    "tpu.region"() ({
      %run_scoped3A = tpu.sem_alloc : memref<!tpu.dma_semaphore, #tpu.memory_space<semaphore_mem>>
      %dma_start3A_389 = arith.constant 0 : i32
      %dma_start3A_390 = tpu.memref_slice %arg14[%add3A_194, %dma_start3A_389] : memref<16384x64xf32, #tpu.memory_space<hbm>> -> memref<256x64xf32, #tpu.memory_space<hbm>>
      %dma_start3A_391 = arith.constant 0 : i32
      %dma_start3A_392 = tpu.memref_slice %arg14[%add3A_194, %dma_start3A_391] : memref<16384x64xf32, #tpu.memory_space<hbm>> -> memref<256x64xf32, #tpu.memory_space<hbm>>
      tpu.enqueue_dma source(%arg22 : memref<256x64xf32, #tpu.memory_space<vmem>>) target(%dma_start3A_392 : memref<256x64xf32, #tpu.memory_space<hbm>>) target_semaphore(%run_scoped3A : memref<!tpu.dma_semaphore, #tpu.memory_space<semaphore_mem>>)
      %dma_wait3A_393 = arith.constant 0 : i32
      %dma_wait3A_394 = tpu.memref_slice %arg14[%add3A_194, %dma_wait3A_393] : memref<16384x64xf32, #tpu.memory_space<hbm>> -> memref<256x64xf32, #tpu.memory_space<hbm>>
      %dma_wait3A_395 = arith.constant 0 : i32
      %dma_wait3A_396 = tpu.memref_slice %arg14[%add3A_194, %dma_wait3A_395] : memref<16384x64xf32, #tpu.memory_space<hbm>> -> memref<256x64xf32, #tpu.memory_space<hbm>>
      tpu.wait_dma2 semaphore(%run_scoped3A : memref<!tpu.dma_semaphore, #tpu.memory_space<semaphore_mem>>) src(%arg22 : memref<256x64xf32, #tpu.memory_space<vmem>>) dst(%dma_wait3A_396 : memref<256x64xf32, #tpu.memory_space<hbm>>)
      tpu.yield
    }) : () -> ()
    "tpu.region"() ({
      %run_scoped3A = tpu.sem_alloc : memref<!tpu.dma_semaphore, #tpu.memory_space<semaphore_mem>>
      %dma_start3A_389 = arith.constant 0 : i32
      %dma_start3A_390 = tpu.memref_slice %arg15[%add3A_194, %dma_start3A_389] : memref<16384x64xf32, #tpu.memory_space<hbm>> -> memref<256x64xf32, #tpu.memory_space<hbm>>
      %dma_start3A_391 = arith.constant 0 : i32
      %dma_start3A_392 = tpu.memref_slice %arg15[%add3A_194, %dma_start3A_391] : memref<16384x64xf32, #tpu.memory_space<hbm>> -> memref<256x64xf32, #tpu.memory_space<hbm>>
      tpu.enqueue_dma source(%arg23 : memref<256x64xf32, #tpu.memory_space<vmem>>) target(%dma_start3A_392 : memref<256x64xf32, #tpu.memory_space<hbm>>) target_semaphore(%run_scoped3A : memref<!tpu.dma_semaphore, #tpu.memory_space<semaphore_mem>>)
      %dma_wait3A_393 = arith.constant 0 : i32
      %dma_wait3A_394 = tpu.memref_slice %arg15[%add3A_194, %dma_wait3A_393] : memref<16384x64xf32, #tpu.memory_space<hbm>> -> memref<256x64xf32, #tpu.memory_space<hbm>>
      %dma_wait3A_395 = arith.constant 0 : i32
      %dma_wait3A_396 = tpu.memref_slice %arg15[%add3A_194, %dma_wait3A_395] : memref<16384x64xf32, #tpu.memory_space<hbm>> -> memref<256x64xf32, #tpu.memory_space<hbm>>
      tpu.wait_dma2 semaphore(%run_scoped3A : memref<!tpu.dma_semaphore, #tpu.memory_space<semaphore_mem>>) src(%arg23 : memref<256x64xf32, #tpu.memory_space<vmem>>) dst(%dma_wait3A_396 : memref<256x64xf32, #tpu.memory_space<hbm>>)
      tpu.yield
    }) : () -> ()
    %dma_start3A_195 = arith.constant 0 : i32
    %dma_start3A_196 = arith.constant 0 : i32
    %dma_start3A_197 = tpu.memref_slice %arg18[%dma_start3A_195, %dma_start3A_196] : memref<256x32xf32, #tpu.memory_space<vmem>> -> memref<128x32xf32, #tpu.memory_space<vmem>>
    %dma_start3A_198 = arith.constant 256 : i32
    %dma_start3A_199 = tpu.memref_slice %arg16[%dma_start3A_198] : memref<512xi32, #tpu.memory_space<vmem>> -> memref<128xi32, #tpu.memory_space<vmem>>
    %dma_start3A_200 = arith.constant 0 : i32
    %dma_start3A_201 = arith.constant 0 : i32
    %dma_start3A_202 = tpu.memref_slice %arg4[%dma_start3A_200, %dma_start3A_201] : memref<1000000x32xf32, #tpu.memory_space<hbm>> -> memref<1000000x32xf32, #tpu.memory_space<hbm>>
    tpu.enqueue_indirect_dma source(%dma_start3A_202 : memref<1000000x32xf32, #tpu.memory_space<hbm>>) target(%dma_start3A_197 : memref<128x32xf32, #tpu.memory_space<vmem>>) offsets(%dma_start3A_199 : memref<128xi32, #tpu.memory_space<vmem>>) semaphore(%arg24 : memref<!tpu.dma_semaphore, #tpu.memory_space<semaphore_mem>>)
    %dma_start3A_203 = arith.constant 0 : i32
    %dma_start3A_204 = arith.constant 0 : i32
    %dma_start3A_205 = tpu.memref_slice %arg19[%dma_start3A_203, %dma_start3A_204] : memref<256x32xf32, #tpu.memory_space<vmem>> -> memref<128x32xf32, #tpu.memory_space<vmem>>
    %dma_start3A_206 = arith.constant 256 : i32
    %dma_start3A_207 = tpu.memref_slice %arg17[%dma_start3A_206] : memref<512xi32, #tpu.memory_space<vmem>> -> memref<128xi32, #tpu.memory_space<vmem>>
    %dma_start3A_208 = arith.constant 0 : i32
    %dma_start3A_209 = arith.constant 0 : i32
    %dma_start3A_210 = tpu.memref_slice %arg5[%dma_start3A_208, %dma_start3A_209] : memref<1000000x32xf32, #tpu.memory_space<hbm>> -> memref<1000000x32xf32, #tpu.memory_space<hbm>>
    tpu.enqueue_indirect_dma source(%dma_start3A_210 : memref<1000000x32xf32, #tpu.memory_space<hbm>>) target(%dma_start3A_205 : memref<128x32xf32, #tpu.memory_space<vmem>>) offsets(%dma_start3A_207 : memref<128xi32, #tpu.memory_space<vmem>>) semaphore(%arg24 : memref<!tpu.dma_semaphore, #tpu.memory_space<semaphore_mem>>)
    %dma_start3A_211 = arith.constant 0 : i32
    %dma_start3A_212 = arith.constant 0 : i32
    %dma_start3A_213 = tpu.memref_slice %arg20[%dma_start3A_211, %dma_start3A_212] : memref<256x32xf32, #tpu.memory_space<vmem>> -> memref<128x32xf32, #tpu.memory_space<vmem>>
    %dma_start3A_214 = arith.constant 256 : i32
    %dma_start3A_215 = tpu.memref_slice %arg16[%dma_start3A_214] : memref<512xi32, #tpu.memory_space<vmem>> -> memref<128xi32, #tpu.memory_space<vmem>>
    %dma_start3A_216 = arith.constant 0 : i32
    %dma_start3A_217 = arith.constant 0 : i32
    %dma_start3A_218 = tpu.memref_slice %arg6[%dma_start3A_216, %dma_start3A_217] : memref<1000000x32xf32, #tpu.memory_space<hbm>> -> memref<1000000x32xf32, #tpu.memory_space<hbm>>
    tpu.enqueue_indirect_dma source(%dma_start3A_218 : memref<1000000x32xf32, #tpu.memory_space<hbm>>) target(%dma_start3A_213 : memref<128x32xf32, #tpu.memory_space<vmem>>) offsets(%dma_start3A_215 : memref<128xi32, #tpu.memory_space<vmem>>) semaphore(%arg24 : memref<!tpu.dma_semaphore, #tpu.memory_space<semaphore_mem>>)
    %dma_start3A_219 = arith.constant 0 : i32
    %dma_start3A_220 = arith.constant 0 : i32
    %dma_start3A_221 = tpu.memref_slice %arg21[%dma_start3A_219, %dma_start3A_220] : memref<256x32xf32, #tpu.memory_space<vmem>> -> memref<128x32xf32, #tpu.memory_space<vmem>>
    %dma_start3A_222 = arith.constant 256 : i32
    %dma_start3A_223 = tpu.memref_slice %arg17[%dma_start3A_222] : memref<512xi32, #tpu.memory_space<vmem>> -> memref<128xi32, #tpu.memory_space<vmem>>
    %dma_start3A_224 = arith.constant 0 : i32
    %dma_start3A_225 = arith.constant 0 : i32
    %dma_start3A_226 = tpu.memref_slice %arg7[%dma_start3A_224, %dma_start3A_225] : memref<1000000x32xf32, #tpu.memory_space<hbm>> -> memref<1000000x32xf32, #tpu.memory_space<hbm>>
    tpu.enqueue_indirect_dma source(%dma_start3A_226 : memref<1000000x32xf32, #tpu.memory_space<hbm>>) target(%dma_start3A_221 : memref<128x32xf32, #tpu.memory_space<vmem>>) offsets(%dma_start3A_223 : memref<128xi32, #tpu.memory_space<vmem>>) semaphore(%arg24 : memref<!tpu.dma_semaphore, #tpu.memory_space<semaphore_mem>>)
    %dma_start3A_227 = arith.constant 0 : i32
    %dma_start3A_228 = arith.constant 0 : i32
    %dma_start3A_229 = tpu.memref_slice %arg22[%dma_start3A_227, %dma_start3A_228] : memref<256x64xf32, #tpu.memory_space<vmem>> -> memref<128x64xf32, #tpu.memory_space<vmem>>
    %dma_start3A_230 = arith.constant 256 : i32
    %dma_start3A_231 = tpu.memref_slice %arg16[%dma_start3A_230] : memref<512xi32, #tpu.memory_space<vmem>> -> memref<128xi32, #tpu.memory_space<vmem>>
    %dma_start3A_232 = arith.constant 0 : i32
    %dma_start3A_233 = arith.constant 0 : i32
    %dma_start3A_234 = tpu.memref_slice %arg8[%dma_start3A_232, %dma_start3A_233] : memref<1000000x64xf32, #tpu.memory_space<hbm>> -> memref<1000000x64xf32, #tpu.memory_space<hbm>>
    tpu.enqueue_indirect_dma source(%dma_start3A_234 : memref<1000000x64xf32, #tpu.memory_space<hbm>>) target(%dma_start3A_229 : memref<128x64xf32, #tpu.memory_space<vmem>>) offsets(%dma_start3A_231 : memref<128xi32, #tpu.memory_space<vmem>>) semaphore(%arg24 : memref<!tpu.dma_semaphore, #tpu.memory_space<semaphore_mem>>)
    %dma_start3A_235 = arith.constant 0 : i32
    %dma_start3A_236 = arith.constant 0 : i32
    %dma_start3A_237 = tpu.memref_slice %arg23[%dma_start3A_235, %dma_start3A_236] : memref<256x64xf32, #tpu.memory_space<vmem>> -> memref<128x64xf32, #tpu.memory_space<vmem>>
    %dma_start3A_238 = arith.constant 256 : i32
    %dma_start3A_239 = tpu.memref_slice %arg17[%dma_start3A_238] : memref<512xi32, #tpu.memory_space<vmem>> -> memref<128xi32, #tpu.memory_space<vmem>>
    %dma_start3A_240 = arith.constant 0 : i32
    %dma_start3A_241 = arith.constant 0 : i32
    %dma_start3A_242 = tpu.memref_slice %arg9[%dma_start3A_240, %dma_start3A_241] : memref<1000000x64xf32, #tpu.memory_space<hbm>> -> memref<1000000x64xf32, #tpu.memory_space<hbm>>
    tpu.enqueue_indirect_dma source(%dma_start3A_242 : memref<1000000x64xf32, #tpu.memory_space<hbm>>) target(%dma_start3A_237 : memref<128x64xf32, #tpu.memory_space<vmem>>) offsets(%dma_start3A_239 : memref<128xi32, #tpu.memory_space<vmem>>) semaphore(%arg24 : memref<!tpu.dma_semaphore, #tpu.memory_space<semaphore_mem>>)
    %dma_start3A_243 = arith.constant 128 : i32
    %dma_start3A_244 = arith.constant 0 : i32
    %dma_start3A_245 = tpu.memref_slice %arg18[%dma_start3A_243, %dma_start3A_244] : memref<256x32xf32, #tpu.memory_space<vmem>> -> memref<128x32xf32, #tpu.memory_space<vmem>>
    %dma_start3A_246 = arith.constant 384 : i32
    %dma_start3A_247 = tpu.memref_slice %arg16[%dma_start3A_246] : memref<512xi32, #tpu.memory_space<vmem>> -> memref<128xi32, #tpu.memory_space<vmem>>
    %dma_start3A_248 = arith.constant 0 : i32
    %dma_start3A_249 = arith.constant 0 : i32
    %dma_start3A_250 = tpu.memref_slice %arg4[%dma_start3A_248, %dma_start3A_249] : memref<1000000x32xf32, #tpu.memory_space<hbm>> -> memref<1000000x32xf32, #tpu.memory_space<hbm>>
    tpu.enqueue_indirect_dma source(%dma_start3A_250 : memref<1000000x32xf32, #tpu.memory_space<hbm>>) target(%dma_start3A_245 : memref<128x32xf32, #tpu.memory_space<vmem>>) offsets(%dma_start3A_247 : memref<128xi32, #tpu.memory_space<vmem>>) semaphore(%arg24 : memref<!tpu.dma_semaphore, #tpu.memory_space<semaphore_mem>>)
    %dma_start3A_251 = arith.constant 128 : i32
    %dma_start3A_252 = arith.constant 0 : i32
    %dma_start3A_253 = tpu.memref_slice %arg19[%dma_start3A_251, %dma_start3A_252] : memref<256x32xf32, #tpu.memory_space<vmem>> -> memref<128x32xf32, #tpu.memory_space<vmem>>
    %dma_start3A_254 = arith.constant 384 : i32
    %dma_start3A_255 = tpu.memref_slice %arg17[%dma_start3A_254] : memref<512xi32, #tpu.memory_space<vmem>> -> memref<128xi32, #tpu.memory_space<vmem>>
    %dma_start3A_256 = arith.constant 0 : i32
    %dma_start3A_257 = arith.constant 0 : i32
    %dma_start3A_258 = tpu.memref_slice %arg5[%dma_start3A_256, %dma_start3A_257] : memref<1000000x32xf32, #tpu.memory_space<hbm>> -> memref<1000000x32xf32, #tpu.memory_space<hbm>>
    tpu.enqueue_indirect_dma source(%dma_start3A_258 : memref<1000000x32xf32, #tpu.memory_space<hbm>>) target(%dma_start3A_253 : memref<128x32xf32, #tpu.memory_space<vmem>>) offsets(%dma_start3A_255 : memref<128xi32, #tpu.memory_space<vmem>>) semaphore(%arg24 : memref<!tpu.dma_semaphore, #tpu.memory_space<semaphore_mem>>)
    %dma_start3A_259 = arith.constant 128 : i32
    %dma_start3A_260 = arith.constant 0 : i32
    %dma_start3A_261 = tpu.memref_slice %arg20[%dma_start3A_259, %dma_start3A_260] : memref<256x32xf32, #tpu.memory_space<vmem>> -> memref<128x32xf32, #tpu.memory_space<vmem>>
    %dma_start3A_262 = arith.constant 384 : i32
    %dma_start3A_263 = tpu.memref_slice %arg16[%dma_start3A_262] : memref<512xi32, #tpu.memory_space<vmem>> -> memref<128xi32, #tpu.memory_space<vmem>>
    %dma_start3A_264 = arith.constant 0 : i32
    %dma_start3A_265 = arith.constant 0 : i32
    %dma_start3A_266 = tpu.memref_slice %arg6[%dma_start3A_264, %dma_start3A_265] : memref<1000000x32xf32, #tpu.memory_space<hbm>> -> memref<1000000x32xf32, #tpu.memory_space<hbm>>
    tpu.enqueue_indirect_dma source(%dma_start3A_266 : memref<1000000x32xf32, #tpu.memory_space<hbm>>) target(%dma_start3A_261 : memref<128x32xf32, #tpu.memory_space<vmem>>) offsets(%dma_start3A_263 : memref<128xi32, #tpu.memory_space<vmem>>) semaphore(%arg24 : memref<!tpu.dma_semaphore, #tpu.memory_space<semaphore_mem>>)
    %dma_start3A_267 = arith.constant 128 : i32
    %dma_start3A_268 = arith.constant 0 : i32
    %dma_start3A_269 = tpu.memref_slice %arg21[%dma_start3A_267, %dma_start3A_268] : memref<256x32xf32, #tpu.memory_space<vmem>> -> memref<128x32xf32, #tpu.memory_space<vmem>>
    %dma_start3A_270 = arith.constant 384 : i32
    %dma_start3A_271 = tpu.memref_slice %arg17[%dma_start3A_270] : memref<512xi32, #tpu.memory_space<vmem>> -> memref<128xi32, #tpu.memory_space<vmem>>
    %dma_start3A_272 = arith.constant 0 : i32
    %dma_start3A_273 = arith.constant 0 : i32
    %dma_start3A_274 = tpu.memref_slice %arg7[%dma_start3A_272, %dma_start3A_273] : memref<1000000x32xf32, #tpu.memory_space<hbm>> -> memref<1000000x32xf32, #tpu.memory_space<hbm>>
    tpu.enqueue_indirect_dma source(%dma_start3A_274 : memref<1000000x32xf32, #tpu.memory_space<hbm>>) target(%dma_start3A_269 : memref<128x32xf32, #tpu.memory_space<vmem>>) offsets(%dma_start3A_271 : memref<128xi32, #tpu.memory_space<vmem>>) semaphore(%arg24 : memref<!tpu.dma_semaphore, #tpu.memory_space<semaphore_mem>>)
    %dma_start3A_275 = arith.constant 128 : i32
    %dma_start3A_276 = arith.constant 0 : i32
    %dma_start3A_277 = tpu.memref_slice %arg22[%dma_start3A_275, %dma_start3A_276] : memref<256x64xf32, #tpu.memory_space<vmem>> -> memref<128x64xf32, #tpu.memory_space<vmem>>
    %dma_start3A_278 = arith.constant 384 : i32
    %dma_start3A_279 = tpu.memref_slice %arg16[%dma_start3A_278] : memref<512xi32, #tpu.memory_space<vmem>> -> memref<128xi32, #tpu.memory_space<vmem>>
    %dma_start3A_280 = arith.constant 0 : i32
    %dma_start3A_281 = arith.constant 0 : i32
    %dma_start3A_282 = tpu.memref_slice %arg8[%dma_start3A_280, %dma_start3A_281] : memref<1000000x64xf32, #tpu.memory_space<hbm>> -> memref<1000000x64xf32, #tpu.memory_space<hbm>>
    tpu.enqueue_indirect_dma source(%dma_start3A_282 : memref<1000000x64xf32, #tpu.memory_space<hbm>>) target(%dma_start3A_277 : memref<128x64xf32, #tpu.memory_space<vmem>>) offsets(%dma_start3A_279 : memref<128xi32, #tpu.memory_space<vmem>>) semaphore(%arg24 : memref<!tpu.dma_semaphore, #tpu.memory_space<semaphore_mem>>)
    %dma_start3A_283 = arith.constant 128 : i32
    %dma_start3A_284 = arith.constant 0 : i32
    %dma_start3A_285 = tpu.memref_slice %arg23[%dma_start3A_283, %dma_start3A_284] : memref<256x64xf32, #tpu.memory_space<vmem>> -> memref<128x64xf32, #tpu.memory_space<vmem>>
    %dma_start3A_286 = arith.constant 384 : i32
    %dma_start3A_287 = tpu.memref_slice %arg17[%dma_start3A_286] : memref<512xi32, #tpu.memory_space<vmem>> -> memref<128xi32, #tpu.memory_space<vmem>>
    %dma_start3A_288 = arith.constant 0 : i32
    %dma_start3A_289 = arith.constant 0 : i32
    %dma_start3A_290 = tpu.memref_slice %arg9[%dma_start3A_288, %dma_start3A_289] : memref<1000000x64xf32, #tpu.memory_space<hbm>> -> memref<1000000x64xf32, #tpu.memory_space<hbm>>
    tpu.enqueue_indirect_dma source(%dma_start3A_290 : memref<1000000x64xf32, #tpu.memory_space<hbm>>) target(%dma_start3A_285 : memref<128x64xf32, #tpu.memory_space<vmem>>) offsets(%dma_start3A_287 : memref<128xi32, #tpu.memory_space<vmem>>) semaphore(%arg24 : memref<!tpu.dma_semaphore, #tpu.memory_space<semaphore_mem>>)
    %dma_wait3A_291 = arith.constant 0 : i32
    %dma_wait3A_292 = arith.constant 0 : i32
    %dma_wait3A_293 = tpu.memref_slice %arg18[%dma_wait3A_291, %dma_wait3A_292] : memref<256x32xf32, #tpu.memory_space<vmem>> -> memref<128x32xf32, #tpu.memory_space<vmem>>
    %dma_wait3A_294 = arith.constant 256 : i32
    %dma_wait3A_295 = tpu.memref_slice %arg16[%dma_wait3A_294] : memref<512xi32, #tpu.memory_space<vmem>> -> memref<128xi32, #tpu.memory_space<vmem>>
    %dma_wait3A_296 = arith.constant 0 : i32
    %dma_wait3A_297 = arith.constant 0 : i32
    %dma_wait3A_298 = tpu.memref_slice %arg4[%dma_wait3A_296, %dma_wait3A_297] : memref<1000000x32xf32, #tpu.memory_space<hbm>> -> memref<1000000x32xf32, #tpu.memory_space<hbm>>
    tpu.wait_indirect_dma semaphore(%arg24 : memref<!tpu.dma_semaphore, #tpu.memory_space<semaphore_mem>>) src(%dma_wait3A_298 : memref<1000000x32xf32, #tpu.memory_space<hbm>>) dst(%dma_wait3A_293 : memref<128x32xf32, #tpu.memory_space<vmem>>)
    %dma_wait3A_299 = arith.constant 0 : i32
    %dma_wait3A_300 = arith.constant 0 : i32
    %dma_wait3A_301 = tpu.memref_slice %arg19[%dma_wait3A_299, %dma_wait3A_300] : memref<256x32xf32, #tpu.memory_space<vmem>> -> memref<128x32xf32, #tpu.memory_space<vmem>>
    %dma_wait3A_302 = arith.constant 256 : i32
    %dma_wait3A_303 = tpu.memref_slice %arg17[%dma_wait3A_302] : memref<512xi32, #tpu.memory_space<vmem>> -> memref<128xi32, #tpu.memory_space<vmem>>
    %dma_wait3A_304 = arith.constant 0 : i32
    %dma_wait3A_305 = arith.constant 0 : i32
    %dma_wait3A_306 = tpu.memref_slice %arg5[%dma_wait3A_304, %dma_wait3A_305] : memref<1000000x32xf32, #tpu.memory_space<hbm>> -> memref<1000000x32xf32, #tpu.memory_space<hbm>>
    tpu.wait_indirect_dma semaphore(%arg24 : memref<!tpu.dma_semaphore, #tpu.memory_space<semaphore_mem>>) src(%dma_wait3A_306 : memref<1000000x32xf32, #tpu.memory_space<hbm>>) dst(%dma_wait3A_301 : memref<128x32xf32, #tpu.memory_space<vmem>>)
    %dma_wait3A_307 = arith.constant 0 : i32
    %dma_wait3A_308 = arith.constant 0 : i32
    %dma_wait3A_309 = tpu.memref_slice %arg20[%dma_wait3A_307, %dma_wait3A_308] : memref<256x32xf32, #tpu.memory_space<vmem>> -> memref<128x32xf32, #tpu.memory_space<vmem>>
    %dma_wait3A_310 = arith.constant 256 : i32
    %dma_wait3A_311 = tpu.memref_slice %arg16[%dma_wait3A_310] : memref<512xi32, #tpu.memory_space<vmem>> -> memref<128xi32, #tpu.memory_space<vmem>>
    %dma_wait3A_312 = arith.constant 0 : i32
    %dma_wait3A_313 = arith.constant 0 : i32
    %dma_wait3A_314 = tpu.memref_slice %arg6[%dma_wait3A_312, %dma_wait3A_313] : memref<1000000x32xf32, #tpu.memory_space<hbm>> -> memref<1000000x32xf32, #tpu.memory_space<hbm>>
    tpu.wait_indirect_dma semaphore(%arg24 : memref<!tpu.dma_semaphore, #tpu.memory_space<semaphore_mem>>) src(%dma_wait3A_314 : memref<1000000x32xf32, #tpu.memory_space<hbm>>) dst(%dma_wait3A_309 : memref<128x32xf32, #tpu.memory_space<vmem>>)
    %dma_wait3A_315 = arith.constant 0 : i32
    %dma_wait3A_316 = arith.constant 0 : i32
    %dma_wait3A_317 = tpu.memref_slice %arg21[%dma_wait3A_315, %dma_wait3A_316] : memref<256x32xf32, #tpu.memory_space<vmem>> -> memref<128x32xf32, #tpu.memory_space<vmem>>
    %dma_wait3A_318 = arith.constant 256 : i32
    %dma_wait3A_319 = tpu.memref_slice %arg17[%dma_wait3A_318] : memref<512xi32, #tpu.memory_space<vmem>> -> memref<128xi32, #tpu.memory_space<vmem>>
    %dma_wait3A_320 = arith.constant 0 : i32
    %dma_wait3A_321 = arith.constant 0 : i32
    %dma_wait3A_322 = tpu.memref_slice %arg7[%dma_wait3A_320, %dma_wait3A_321] : memref<1000000x32xf32, #tpu.memory_space<hbm>> -> memref<1000000x32xf32, #tpu.memory_space<hbm>>
    tpu.wait_indirect_dma semaphore(%arg24 : memref<!tpu.dma_semaphore, #tpu.memory_space<semaphore_mem>>) src(%dma_wait3A_322 : memref<1000000x32xf32, #tpu.memory_space<hbm>>) dst(%dma_wait3A_317 : memref<128x32xf32, #tpu.memory_space<vmem>>)
    %dma_wait3A_323 = arith.constant 0 : i32
    %dma_wait3A_324 = arith.constant 0 : i32
    %dma_wait3A_325 = tpu.memref_slice %arg22[%dma_wait3A_323, %dma_wait3A_324] : memref<256x64xf32, #tpu.memory_space<vmem>> -> memref<128x64xf32, #tpu.memory_space<vmem>>
    %dma_wait3A_326 = arith.constant 256 : i32
    %dma_wait3A_327 = tpu.memref_slice %arg16[%dma_wait3A_326] : memref<512xi32, #tpu.memory_space<vmem>> -> memref<128xi32, #tpu.memory_space<vmem>>
    %dma_wait3A_328 = arith.constant 0 : i32
    %dma_wait3A_329 = arith.constant 0 : i32
    %dma_wait3A_330 = tpu.memref_slice %arg8[%dma_wait3A_328, %dma_wait3A_329] : memref<1000000x64xf32, #tpu.memory_space<hbm>> -> memref<1000000x64xf32, #tpu.memory_space<hbm>>
    tpu.wait_indirect_dma semaphore(%arg24 : memref<!tpu.dma_semaphore, #tpu.memory_space<semaphore_mem>>) src(%dma_wait3A_330 : memref<1000000x64xf32, #tpu.memory_space<hbm>>) dst(%dma_wait3A_325 : memref<128x64xf32, #tpu.memory_space<vmem>>)
    %dma_wait3A_331 = arith.constant 0 : i32
    %dma_wait3A_332 = arith.constant 0 : i32
    %dma_wait3A_333 = tpu.memref_slice %arg23[%dma_wait3A_331, %dma_wait3A_332] : memref<256x64xf32, #tpu.memory_space<vmem>> -> memref<128x64xf32, #tpu.memory_space<vmem>>
    %dma_wait3A_334 = arith.constant 256 : i32
    %dma_wait3A_335 = tpu.memref_slice %arg17[%dma_wait3A_334] : memref<512xi32, #tpu.memory_space<vmem>> -> memref<128xi32, #tpu.memory_space<vmem>>
    %dma_wait3A_336 = arith.constant 0 : i32
    %dma_wait3A_337 = arith.constant 0 : i32
    %dma_wait3A_338 = tpu.memref_slice %arg9[%dma_wait3A_336, %dma_wait3A_337] : memref<1000000x64xf32, #tpu.memory_space<hbm>> -> memref<1000000x64xf32, #tpu.memory_space<hbm>>
    tpu.wait_indirect_dma semaphore(%arg24 : memref<!tpu.dma_semaphore, #tpu.memory_space<semaphore_mem>>) src(%dma_wait3A_338 : memref<1000000x64xf32, #tpu.memory_space<hbm>>) dst(%dma_wait3A_333 : memref<128x64xf32, #tpu.memory_space<vmem>>)
    %dma_wait3A_339 = arith.constant 128 : i32
    %dma_wait3A_340 = arith.constant 0 : i32
    %dma_wait3A_341 = tpu.memref_slice %arg18[%dma_wait3A_339, %dma_wait3A_340] : memref<256x32xf32, #tpu.memory_space<vmem>> -> memref<128x32xf32, #tpu.memory_space<vmem>>
    %dma_wait3A_342 = arith.constant 384 : i32
    %dma_wait3A_343 = tpu.memref_slice %arg16[%dma_wait3A_342] : memref<512xi32, #tpu.memory_space<vmem>> -> memref<128xi32, #tpu.memory_space<vmem>>
    %dma_wait3A_344 = arith.constant 0 : i32
    %dma_wait3A_345 = arith.constant 0 : i32
    %dma_wait3A_346 = tpu.memref_slice %arg4[%dma_wait3A_344, %dma_wait3A_345] : memref<1000000x32xf32, #tpu.memory_space<hbm>> -> memref<1000000x32xf32, #tpu.memory_space<hbm>>
    tpu.wait_indirect_dma semaphore(%arg24 : memref<!tpu.dma_semaphore, #tpu.memory_space<semaphore_mem>>) src(%dma_wait3A_346 : memref<1000000x32xf32, #tpu.memory_space<hbm>>) dst(%dma_wait3A_341 : memref<128x32xf32, #tpu.memory_space<vmem>>)
    %dma_wait3A_347 = arith.constant 128 : i32
    %dma_wait3A_348 = arith.constant 0 : i32
    %dma_wait3A_349 = tpu.memref_slice %arg19[%dma_wait3A_347, %dma_wait3A_348] : memref<256x32xf32, #tpu.memory_space<vmem>> -> memref<128x32xf32, #tpu.memory_space<vmem>>
    %dma_wait3A_350 = arith.constant 384 : i32
    %dma_wait3A_351 = tpu.memref_slice %arg17[%dma_wait3A_350] : memref<512xi32, #tpu.memory_space<vmem>> -> memref<128xi32, #tpu.memory_space<vmem>>
    %dma_wait3A_352 = arith.constant 0 : i32
    %dma_wait3A_353 = arith.constant 0 : i32
    %dma_wait3A_354 = tpu.memref_slice %arg5[%dma_wait3A_352, %dma_wait3A_353] : memref<1000000x32xf32, #tpu.memory_space<hbm>> -> memref<1000000x32xf32, #tpu.memory_space<hbm>>
    tpu.wait_indirect_dma semaphore(%arg24 : memref<!tpu.dma_semaphore, #tpu.memory_space<semaphore_mem>>) src(%dma_wait3A_354 : memref<1000000x32xf32, #tpu.memory_space<hbm>>) dst(%dma_wait3A_349 : memref<128x32xf32, #tpu.memory_space<vmem>>)
    %dma_wait3A_355 = arith.constant 128 : i32
    %dma_wait3A_356 = arith.constant 0 : i32
    %dma_wait3A_357 = tpu.memref_slice %arg20[%dma_wait3A_355, %dma_wait3A_356] : memref<256x32xf32, #tpu.memory_space<vmem>> -> memref<128x32xf32, #tpu.memory_space<vmem>>
    %dma_wait3A_358 = arith.constant 384 : i32
    %dma_wait3A_359 = tpu.memref_slice %arg16[%dma_wait3A_358] : memref<512xi32, #tpu.memory_space<vmem>> -> memref<128xi32, #tpu.memory_space<vmem>>
    %dma_wait3A_360 = arith.constant 0 : i32
    %dma_wait3A_361 = arith.constant 0 : i32
    %dma_wait3A_362 = tpu.memref_slice %arg6[%dma_wait3A_360, %dma_wait3A_361] : memref<1000000x32xf32, #tpu.memory_space<hbm>> -> memref<1000000x32xf32, #tpu.memory_space<hbm>>
    tpu.wait_indirect_dma semaphore(%arg24 : memref<!tpu.dma_semaphore, #tpu.memory_space<semaphore_mem>>) src(%dma_wait3A_362 : memref<1000000x32xf32, #tpu.memory_space<hbm>>) dst(%dma_wait3A_357 : memref<128x32xf32, #tpu.memory_space<vmem>>)
    %dma_wait3A_363 = arith.constant 128 : i32
    %dma_wait3A_364 = arith.constant 0 : i32
    %dma_wait3A_365 = tpu.memref_slice %arg21[%dma_wait3A_363, %dma_wait3A_364] : memref<256x32xf32, #tpu.memory_space<vmem>> -> memref<128x32xf32, #tpu.memory_space<vmem>>
    %dma_wait3A_366 = arith.constant 384 : i32
    %dma_wait3A_367 = tpu.memref_slice %arg17[%dma_wait3A_366] : memref<512xi32, #tpu.memory_space<vmem>> -> memref<128xi32, #tpu.memory_space<vmem>>
    %dma_wait3A_368 = arith.constant 0 : i32
    %dma_wait3A_369 = arith.constant 0 : i32
    %dma_wait3A_370 = tpu.memref_slice %arg7[%dma_wait3A_368, %dma_wait3A_369] : memref<1000000x32xf32, #tpu.memory_space<hbm>> -> memref<1000000x32xf32, #tpu.memory_space<hbm>>
    tpu.wait_indirect_dma semaphore(%arg24 : memref<!tpu.dma_semaphore, #tpu.memory_space<semaphore_mem>>) src(%dma_wait3A_370 : memref<1000000x32xf32, #tpu.memory_space<hbm>>) dst(%dma_wait3A_365 : memref<128x32xf32, #tpu.memory_space<vmem>>)
    %dma_wait3A_371 = arith.constant 128 : i32
    %dma_wait3A_372 = arith.constant 0 : i32
    %dma_wait3A_373 = tpu.memref_slice %arg22[%dma_wait3A_371, %dma_wait3A_372] : memref<256x64xf32, #tpu.memory_space<vmem>> -> memref<128x64xf32, #tpu.memory_space<vmem>>
    %dma_wait3A_374 = arith.constant 384 : i32
    %dma_wait3A_375 = tpu.memref_slice %arg16[%dma_wait3A_374] : memref<512xi32, #tpu.memory_space<vmem>> -> memref<128xi32, #tpu.memory_space<vmem>>
    %dma_wait3A_376 = arith.constant 0 : i32
    %dma_wait3A_377 = arith.constant 0 : i32
    %dma_wait3A_378 = tpu.memref_slice %arg8[%dma_wait3A_376, %dma_wait3A_377] : memref<1000000x64xf32, #tpu.memory_space<hbm>> -> memref<1000000x64xf32, #tpu.memory_space<hbm>>
    tpu.wait_indirect_dma semaphore(%arg24 : memref<!tpu.dma_semaphore, #tpu.memory_space<semaphore_mem>>) src(%dma_wait3A_378 : memref<1000000x64xf32, #tpu.memory_space<hbm>>) dst(%dma_wait3A_373 : memref<128x64xf32, #tpu.memory_space<vmem>>)
    %dma_wait3A_379 = arith.constant 128 : i32
    %dma_wait3A_380 = arith.constant 0 : i32
    %dma_wait3A_381 = tpu.memref_slice %arg23[%dma_wait3A_379, %dma_wait3A_380] : memref<256x64xf32, #tpu.memory_space<vmem>> -> memref<128x64xf32, #tpu.memory_space<vmem>>
    %dma_wait3A_382 = arith.constant 384 : i32
    %dma_wait3A_383 = tpu.memref_slice %arg17[%dma_wait3A_382] : memref<512xi32, #tpu.memory_space<vmem>> -> memref<128xi32, #tpu.memory_space<vmem>>
    %dma_wait3A_384 = arith.constant 0 : i32
    %dma_wait3A_385 = arith.constant 0 : i32
    %dma_wait3A_386 = tpu.memref_slice %arg9[%dma_wait3A_384, %dma_wait3A_385] : memref<1000000x64xf32, #tpu.memory_space<hbm>> -> memref<1000000x64xf32, #tpu.memory_space<hbm>>
    tpu.wait_indirect_dma semaphore(%arg24 : memref<!tpu.dma_semaphore, #tpu.memory_space<semaphore_mem>>) src(%dma_wait3A_386 : memref<1000000x64xf32, #tpu.memory_space<hbm>>) dst(%dma_wait3A_381 : memref<128x64xf32, #tpu.memory_space<vmem>>)
    %add3A_387 = arith.constant 256 : i32
    %add3A_388 = arith.addi %mul3A_2, %add3A_387 : i32
    "tpu.region"() ({
      %run_scoped3A = tpu.sem_alloc : memref<!tpu.dma_semaphore, #tpu.memory_space<semaphore_mem>>
      %dma_start3A_389 = arith.constant 0 : i32
      %dma_start3A_390 = tpu.memref_slice %arg10[%add3A_388, %dma_start3A_389] : memref<16384x32xf32, #tpu.memory_space<hbm>> -> memref<256x32xf32, #tpu.memory_space<hbm>>
      %dma_start3A_391 = arith.constant 0 : i32
      %dma_start3A_392 = tpu.memref_slice %arg10[%add3A_388, %dma_start3A_391] : memref<16384x32xf32, #tpu.memory_space<hbm>> -> memref<256x32xf32, #tpu.memory_space<hbm>>
      tpu.enqueue_dma source(%arg18 : memref<256x32xf32, #tpu.memory_space<vmem>>) target(%dma_start3A_392 : memref<256x32xf32, #tpu.memory_space<hbm>>) target_semaphore(%run_scoped3A : memref<!tpu.dma_semaphore, #tpu.memory_space<semaphore_mem>>)
      %dma_wait3A_393 = arith.constant 0 : i32
      %dma_wait3A_394 = tpu.memref_slice %arg10[%add3A_388, %dma_wait3A_393] : memref<16384x32xf32, #tpu.memory_space<hbm>> -> memref<256x32xf32, #tpu.memory_space<hbm>>
      %dma_wait3A_395 = arith.constant 0 : i32
      %dma_wait3A_396 = tpu.memref_slice %arg10[%add3A_388, %dma_wait3A_395] : memref<16384x32xf32, #tpu.memory_space<hbm>> -> memref<256x32xf32, #tpu.memory_space<hbm>>
      tpu.wait_dma2 semaphore(%run_scoped3A : memref<!tpu.dma_semaphore, #tpu.memory_space<semaphore_mem>>) src(%arg18 : memref<256x32xf32, #tpu.memory_space<vmem>>) dst(%dma_wait3A_396 : memref<256x32xf32, #tpu.memory_space<hbm>>)
      tpu.yield
    }) : () -> ()
    "tpu.region"() ({
      %run_scoped3A = tpu.sem_alloc : memref<!tpu.dma_semaphore, #tpu.memory_space<semaphore_mem>>
      %dma_start3A_389 = arith.constant 0 : i32
      %dma_start3A_390 = tpu.memref_slice %arg11[%add3A_388, %dma_start3A_389] : memref<16384x32xf32, #tpu.memory_space<hbm>> -> memref<256x32xf32, #tpu.memory_space<hbm>>
      %dma_start3A_391 = arith.constant 0 : i32
      %dma_start3A_392 = tpu.memref_slice %arg11[%add3A_388, %dma_start3A_391] : memref<16384x32xf32, #tpu.memory_space<hbm>> -> memref<256x32xf32, #tpu.memory_space<hbm>>
      tpu.enqueue_dma source(%arg19 : memref<256x32xf32, #tpu.memory_space<vmem>>) target(%dma_start3A_392 : memref<256x32xf32, #tpu.memory_space<hbm>>) target_semaphore(%run_scoped3A : memref<!tpu.dma_semaphore, #tpu.memory_space<semaphore_mem>>)
      %dma_wait3A_393 = arith.constant 0 : i32
      %dma_wait3A_394 = tpu.memref_slice %arg11[%add3A_388, %dma_wait3A_393] : memref<16384x32xf32, #tpu.memory_space<hbm>> -> memref<256x32xf32, #tpu.memory_space<hbm>>
      %dma_wait3A_395 = arith.constant 0 : i32
      %dma_wait3A_396 = tpu.memref_slice %arg11[%add3A_388, %dma_wait3A_395] : memref<16384x32xf32, #tpu.memory_space<hbm>> -> memref<256x32xf32, #tpu.memory_space<hbm>>
      tpu.wait_dma2 semaphore(%run_scoped3A : memref<!tpu.dma_semaphore, #tpu.memory_space<semaphore_mem>>) src(%arg19 : memref<256x32xf32, #tpu.memory_space<vmem>>) dst(%dma_wait3A_396 : memref<256x32xf32, #tpu.memory_space<hbm>>)
      tpu.yield
    }) : () -> ()
    "tpu.region"() ({
      %run_scoped3A = tpu.sem_alloc : memref<!tpu.dma_semaphore, #tpu.memory_space<semaphore_mem>>
      %dma_start3A_389 = arith.constant 0 : i32
      %dma_start3A_390 = tpu.memref_slice %arg12[%add3A_388, %dma_start3A_389] : memref<16384x32xf32, #tpu.memory_space<hbm>> -> memref<256x32xf32, #tpu.memory_space<hbm>>
      %dma_start3A_391 = arith.constant 0 : i32
      %dma_start3A_392 = tpu.memref_slice %arg12[%add3A_388, %dma_start3A_391] : memref<16384x32xf32, #tpu.memory_space<hbm>> -> memref<256x32xf32, #tpu.memory_space<hbm>>
      tpu.enqueue_dma source(%arg20 : memref<256x32xf32, #tpu.memory_space<vmem>>) target(%dma_start3A_392 : memref<256x32xf32, #tpu.memory_space<hbm>>) target_semaphore(%run_scoped3A : memref<!tpu.dma_semaphore, #tpu.memory_space<semaphore_mem>>)
      %dma_wait3A_393 = arith.constant 0 : i32
      %dma_wait3A_394 = tpu.memref_slice %arg12[%add3A_388, %dma_wait3A_393] : memref<16384x32xf32, #tpu.memory_space<hbm>> -> memref<256x32xf32, #tpu.memory_space<hbm>>
      %dma_wait3A_395 = arith.constant 0 : i32
      %dma_wait3A_396 = tpu.memref_slice %arg12[%add3A_388, %dma_wait3A_395] : memref<16384x32xf32, #tpu.memory_space<hbm>> -> memref<256x32xf32, #tpu.memory_space<hbm>>
      tpu.wait_dma2 semaphore(%run_scoped3A : memref<!tpu.dma_semaphore, #tpu.memory_space<semaphore_mem>>) src(%arg20 : memref<256x32xf32, #tpu.memory_space<vmem>>) dst(%dma_wait3A_396 : memref<256x32xf32, #tpu.memory_space<hbm>>)
      tpu.yield
    }) : () -> ()
    "tpu.region"() ({
      %run_scoped3A = tpu.sem_alloc : memref<!tpu.dma_semaphore, #tpu.memory_space<semaphore_mem>>
      %dma_start3A_389 = arith.constant 0 : i32
      %dma_start3A_390 = tpu.memref_slice %arg13[%add3A_388, %dma_start3A_389] : memref<16384x32xf32, #tpu.memory_space<hbm>> -> memref<256x32xf32, #tpu.memory_space<hbm>>
      %dma_start3A_391 = arith.constant 0 : i32
      %dma_start3A_392 = tpu.memref_slice %arg13[%add3A_388, %dma_start3A_391] : memref<16384x32xf32, #tpu.memory_space<hbm>> -> memref<256x32xf32, #tpu.memory_space<hbm>>
      tpu.enqueue_dma source(%arg21 : memref<256x32xf32, #tpu.memory_space<vmem>>) target(%dma_start3A_392 : memref<256x32xf32, #tpu.memory_space<hbm>>) target_semaphore(%run_scoped3A : memref<!tpu.dma_semaphore, #tpu.memory_space<semaphore_mem>>)
      %dma_wait3A_393 = arith.constant 0 : i32
      %dma_wait3A_394 = tpu.memref_slice %arg13[%add3A_388, %dma_wait3A_393] : memref<16384x32xf32, #tpu.memory_space<hbm>> -> memref<256x32xf32, #tpu.memory_space<hbm>>
      %dma_wait3A_395 = arith.constant 0 : i32
      %dma_wait3A_396 = tpu.memref_slice %arg13[%add3A_388, %dma_wait3A_395] : memref<16384x32xf32, #tpu.memory_space<hbm>> -> memref<256x32xf32, #tpu.memory_space<hbm>>
      tpu.wait_dma2 semaphore(%run_scoped3A : memref<!tpu.dma_semaphore, #tpu.memory_space<semaphore_mem>>) src(%arg21 : memref<256x32xf32, #tpu.memory_space<vmem>>) dst(%dma_wait3A_396 : memref<256x32xf32, #tpu.memory_space<hbm>>)
      tpu.yield
    }) : () -> ()
    "tpu.region"() ({
      %run_scoped3A = tpu.sem_alloc : memref<!tpu.dma_semaphore, #tpu.memory_space<semaphore_mem>>
      %dma_start3A_389 = arith.constant 0 : i32
      %dma_start3A_390 = tpu.memref_slice %arg14[%add3A_388, %dma_start3A_389] : memref<16384x64xf32, #tpu.memory_space<hbm>> -> memref<256x64xf32, #tpu.memory_space<hbm>>
      %dma_start3A_391 = arith.constant 0 : i32
      %dma_start3A_392 = tpu.memref_slice %arg14[%add3A_388, %dma_start3A_391] : memref<16384x64xf32, #tpu.memory_space<hbm>> -> memref<256x64xf32, #tpu.memory_space<hbm>>
      tpu.enqueue_dma source(%arg22 : memref<256x64xf32, #tpu.memory_space<vmem>>) target(%dma_start3A_392 : memref<256x64xf32, #tpu.memory_space<hbm>>) target_semaphore(%run_scoped3A : memref<!tpu.dma_semaphore, #tpu.memory_space<semaphore_mem>>)
      %dma_wait3A_393 = arith.constant 0 : i32
      %dma_wait3A_394 = tpu.memref_slice %arg14[%add3A_388, %dma_wait3A_393] : memref<16384x64xf32, #tpu.memory_space<hbm>> -> memref<256x64xf32, #tpu.memory_space<hbm>>
      %dma_wait3A_395 = arith.constant 0 : i32
      %dma_wait3A_396 = tpu.memref_slice %arg14[%add3A_388, %dma_wait3A_395] : memref<16384x64xf32, #tpu.memory_space<hbm>> -> memref<256x64xf32, #tpu.memory_space<hbm>>
      tpu.wait_dma2 semaphore(%run_scoped3A : memref<!tpu.dma_semaphore, #tpu.memory_space<semaphore_mem>>) src(%arg22 : memref<256x64xf32, #tpu.memory_space<vmem>>) dst(%dma_wait3A_396 : memref<256x64xf32, #tpu.memory_space<hbm>>)
      tpu.yield
    }) : () -> ()
    "tpu.region"() ({
      %run_scoped3A = tpu.sem_alloc : memref<!tpu.dma_semaphore, #tpu.memory_space<semaphore_mem>>
      %dma_start3A_389 = arith.constant 0 : i32
      %dma_start3A_390 = tpu.memref_slice %arg15[%add3A_388, %dma_start3A_389] : memref<16384x64xf32, #tpu.memory_space<hbm>> -> memref<256x64xf32, #tpu.memory_space<hbm>>
      %dma_start3A_391 = arith.constant 0 : i32
      %dma_start3A_392 = tpu.memref_slice %arg15[%add3A_388, %dma_start3A_391] : memref<16384x64xf32, #tpu.memory_space<hbm>> -> memref<256x64xf32, #tpu.memory_space<hbm>>
      tpu.enqueue_dma source(%arg23 : memref<256x64xf32, #tpu.memory_space<vmem>>) target(%dma_start3A_392 : memref<256x64xf32, #tpu.memory_space<hbm>>) target_semaphore(%run_scoped3A : memref<!tpu.dma_semaphore, #tpu.memory_space<semaphore_mem>>)
      %dma_wait3A_393 = arith.constant 0 : i32
      %dma_wait3A_394 = tpu.memref_slice %arg15[%add3A_388, %dma_wait3A_393] : memref<16384x64xf32, #tpu.memory_space<hbm>> -> memref<256x64xf32, #tpu.memory_space<hbm>>
      %dma_wait3A_395 = arith.constant 0 : i32
      %dma_wait3A_396 = tpu.memref_slice %arg15[%add3A_388, %dma_wait3A_395] : memref<16384x64xf32, #tpu.memory_space<hbm>> -> memref<256x64xf32, #tpu.memory_space<hbm>>
      tpu.wait_dma2 semaphore(%run_scoped3A : memref<!tpu.dma_semaphore, #tpu.memory_space<semaphore_mem>>) src(%arg23 : memref<256x64xf32, #tpu.memory_space<vmem>>) dst(%dma_wait3A_396 : memref<256x64xf32, #tpu.memory_space<hbm>>)
      tpu.yield
    }) : () -> ()
    return
  }
}

module attributes {stable_mosaic.version = 14 : i64} {
  func.func @_tc_body(%arg0: i32, %arg1: memref<2048x32xf32, #tpu.memory_space<vmem>>, %arg2: memref<2048x32xf32, #tpu.memory_space<vmem>>, %arg3: memref<2048x32xf32, #tpu.memory_space<vmem>>, %arg4: memref<2048x32xf32, #tpu.memory_space<vmem>>, %arg5: memref<2048x64xf32, #tpu.memory_space<vmem>>, %arg6: memref<2048x64xf32, #tpu.memory_space<vmem>>, %arg7: memref<64xf32, #tpu.memory_space<vmem>>, %arg8: memref<64xf32, #tpu.memory_space<vmem>>, %arg9: memref<64xf32, #tpu.memory_space<vmem>>, %arg10: memref<64xf32, #tpu.memory_space<vmem>>, %arg11: memref<192x512xf32, #tpu.memory_space<vmem>>, %arg12: memref<512xf32, #tpu.memory_space<vmem>>, %arg13: memref<512x256xf32, #tpu.memory_space<vmem>>, %arg14: memref<256xf32, #tpu.memory_space<vmem>>, %arg15: memref<256x128xf32, #tpu.memory_space<vmem>>, %arg16: memref<128xf32, #tpu.memory_space<vmem>>, %arg17: memref<128x64xf32, #tpu.memory_space<vmem>>, %arg18: memref<64xf32, #tpu.memory_space<vmem>>, %arg19: memref<96xf32, #tpu.memory_space<vmem>>, %arg20: memref<1xf32, #tpu.memory_space<vmem>>, %arg21: memref<2048x1xf32, #tpu.memory_space<vmem>>) attributes {dimension_semantics = [#tpu.dimension_semantics<arbitrary>], iteration_bounds = array<i64: 8>, scalar_prefetch = 0 : i64, scratch_operands = 0 : i64, tpu.core_type = #tpu.core_type<tc>, window_params = [{transform_indices = @transform_0, window_bounds = array<i64: 2048, 32>}, {transform_indices = @transform_1, window_bounds = array<i64: 2048, 32>}, {transform_indices = @transform_2, window_bounds = array<i64: 2048, 32>}, {transform_indices = @transform_3, window_bounds = array<i64: 2048, 32>}, {transform_indices = @transform_4, window_bounds = array<i64: 2048, 64>}, {transform_indices = @transform_5, window_bounds = array<i64: 2048, 64>}, {pipeline_mode = #tpu.pipeline_mode<synchronous>, transform_indices = @transform_6, window_bounds = array<i64: 64>}, {pipeline_mode = #tpu.pipeline_mode<synchronous>, transform_indices = @transform_7, window_bounds = array<i64: 64>}, {pipeline_mode = #tpu.pipeline_mode<synchronous>, transform_indices = @transform_8, window_bounds = array<i64: 64>}, {pipeline_mode = #tpu.pipeline_mode<synchronous>, transform_indices = @transform_9, window_bounds = array<i64: 64>}, {pipeline_mode = #tpu.pipeline_mode<synchronous>, transform_indices = @transform_10, window_bounds = array<i64: 192, 512>}, {pipeline_mode = #tpu.pipeline_mode<synchronous>, transform_indices = @transform_11, window_bounds = array<i64: 512>}, {pipeline_mode = #tpu.pipeline_mode<synchronous>, transform_indices = @transform_12, window_bounds = array<i64: 512, 256>}, {pipeline_mode = #tpu.pipeline_mode<synchronous>, transform_indices = @transform_13, window_bounds = array<i64: 256>}, {pipeline_mode = #tpu.pipeline_mode<synchronous>, transform_indices = @transform_14, window_bounds = array<i64: 256, 128>}, {pipeline_mode = #tpu.pipeline_mode<synchronous>, transform_indices = @transform_15, window_bounds = array<i64: 128>}, {pipeline_mode = #tpu.pipeline_mode<synchronous>, transform_indices = @transform_16, window_bounds = array<i64: 128, 64>}, {pipeline_mode = #tpu.pipeline_mode<synchronous>, transform_indices = @transform_17, window_bounds = array<i64: 64>}, {pipeline_mode = #tpu.pipeline_mode<synchronous>, transform_indices = @transform_18, window_bounds = array<i64: 96>}, {pipeline_mode = #tpu.pipeline_mode<synchronous>, transform_indices = @transform_19, window_bounds = array<i64: 1>}, {transform_indices = @transform_20, window_bounds = array<i64: 2048, 1>}]} {
    %get3A = arith.constant 0 : index
    %get3A_0 = arith.constant 0 : index
    %get3A_1 = vector.load %arg5[%get3A, %get3A_0] : memref<2048x64xf32, #tpu.memory_space<vmem>>, vector<2048x64xf32>
    %get3A_2 = arith.constant 0 : index
    %get3A_3 = vector.load %arg7[%get3A_2] : memref<64xf32, #tpu.memory_space<vmem>>, vector<64xf32>
    %get3A_4 = arith.constant 0 : index
    %get3A_5 = vector.load %arg8[%get3A_4] : memref<64xf32, #tpu.memory_space<vmem>>, vector<64xf32>
    %reduce_sum3A = arith.constant dense<0.000000e+00> : vector<2048xf32>
    %reduce_sum3A_6 = vector.multi_reduction <add>, %get3A_1, %reduce_sum3A [1] : vector<2048x64xf32> to vector<2048xf32>
    %broadcast_in_dim3A = vector.shape_cast %reduce_sum3A_6 : vector<2048xf32> to vector<2048x1xf32>
    %div3A = arith.constant 6.400000e+01 : f32
    %div3A_7 = vector.broadcast %div3A : f32 to vector<2048x1xf32>
    %div3A_8 = arith.divf %broadcast_in_dim3A, %div3A_7 : vector<2048x1xf32>
    %sub3A = vector.broadcast %div3A_8 : vector<2048x1xf32> to vector<2048x64xf32>
    %sub3A_9 = arith.subf %get3A_1, %sub3A : vector<2048x64xf32>
    %sub3A_10 = vector.broadcast %div3A_8 : vector<2048x1xf32> to vector<2048x64xf32>
    %sub3A_11 = arith.subf %get3A_1, %sub3A_10 : vector<2048x64xf32>
    %mul3A = arith.mulf %sub3A_9, %sub3A_11 : vector<2048x64xf32>
    %reduce_sum3A_12 = arith.constant dense<0.000000e+00> : vector<2048xf32>
    %reduce_sum3A_13 = vector.multi_reduction <add>, %mul3A, %reduce_sum3A_12 [1] : vector<2048x64xf32> to vector<2048xf32>
    %broadcast_in_dim3A_14 = vector.shape_cast %reduce_sum3A_13 : vector<2048xf32> to vector<2048x1xf32>
    %div3A_15 = arith.constant 6.400000e+01 : f32
    %div3A_16 = vector.broadcast %div3A_15 : f32 to vector<2048x1xf32>
    %div3A_17 = arith.divf %broadcast_in_dim3A_14, %div3A_16 : vector<2048x1xf32>
    %sub3A_18 = vector.broadcast %div3A_8 : vector<2048x1xf32> to vector<2048x64xf32>
    %sub3A_19 = arith.subf %get3A_1, %sub3A_18 : vector<2048x64xf32>
    %add3A = arith.constant 9.99999974E-6 : f32
    %add3A_20 = vector.broadcast %add3A : f32 to vector<2048x1xf32>
    %add3A_21 = arith.addf %div3A_17, %add3A_20 : vector<2048x1xf32>
    %rsqrt3A = math.rsqrt %add3A_21 : vector<2048x1xf32>
    %mul3A_22 = vector.broadcast %rsqrt3A : vector<2048x1xf32> to vector<2048x64xf32>
    %mul3A_23 = arith.mulf %sub3A_19, %mul3A_22 : vector<2048x64xf32>
    %broadcast_in_dim3A_24 = vector.shape_cast %get3A_3 : vector<64xf32> to vector<1x64xf32>
    %mul3A_25 = vector.broadcast %broadcast_in_dim3A_24 : vector<1x64xf32> to vector<2048x64xf32>
    %mul3A_26 = arith.mulf %mul3A_23, %mul3A_25 : vector<2048x64xf32>
    %broadcast_in_dim3A_27 = vector.shape_cast %get3A_5 : vector<64xf32> to vector<1x64xf32>
    %add3A_28 = vector.broadcast %broadcast_in_dim3A_27 : vector<1x64xf32> to vector<2048x64xf32>
    %add3A_29 = arith.addf %mul3A_26, %add3A_28 : vector<2048x64xf32>
    %get3A_30 = arith.constant 0 : index
    %get3A_31 = arith.constant 0 : index
    %get3A_32 = vector.load %arg6[%get3A_30, %get3A_31] : memref<2048x64xf32, #tpu.memory_space<vmem>>, vector<2048x64xf32>
    %get3A_33 = arith.constant 0 : index
    %get3A_34 = vector.load %arg9[%get3A_33] : memref<64xf32, #tpu.memory_space<vmem>>, vector<64xf32>
    %get3A_35 = arith.constant 0 : index
    %get3A_36 = vector.load %arg10[%get3A_35] : memref<64xf32, #tpu.memory_space<vmem>>, vector<64xf32>
    %reduce_sum3A_37 = arith.constant dense<0.000000e+00> : vector<2048xf32>
    %reduce_sum3A_38 = vector.multi_reduction <add>, %get3A_32, %reduce_sum3A_37 [1] : vector<2048x64xf32> to vector<2048xf32>
    %broadcast_in_dim3A_39 = vector.shape_cast %reduce_sum3A_38 : vector<2048xf32> to vector<2048x1xf32>
    %div3A_40 = arith.constant 6.400000e+01 : f32
    %div3A_41 = vector.broadcast %div3A_40 : f32 to vector<2048x1xf32>
    %div3A_42 = arith.divf %broadcast_in_dim3A_39, %div3A_41 : vector<2048x1xf32>
    %sub3A_43 = vector.broadcast %div3A_42 : vector<2048x1xf32> to vector<2048x64xf32>
    %sub3A_44 = arith.subf %get3A_32, %sub3A_43 : vector<2048x64xf32>
    %sub3A_45 = vector.broadcast %div3A_42 : vector<2048x1xf32> to vector<2048x64xf32>
    %sub3A_46 = arith.subf %get3A_32, %sub3A_45 : vector<2048x64xf32>
    %mul3A_47 = arith.mulf %sub3A_44, %sub3A_46 : vector<2048x64xf32>
    %reduce_sum3A_48 = arith.constant dense<0.000000e+00> : vector<2048xf32>
    %reduce_sum3A_49 = vector.multi_reduction <add>, %mul3A_47, %reduce_sum3A_48 [1] : vector<2048x64xf32> to vector<2048xf32>
    %broadcast_in_dim3A_50 = vector.shape_cast %reduce_sum3A_49 : vector<2048xf32> to vector<2048x1xf32>
    %div3A_51 = arith.constant 6.400000e+01 : f32
    %div3A_52 = vector.broadcast %div3A_51 : f32 to vector<2048x1xf32>
    %div3A_53 = arith.divf %broadcast_in_dim3A_50, %div3A_52 : vector<2048x1xf32>
    %sub3A_54 = vector.broadcast %div3A_42 : vector<2048x1xf32> to vector<2048x64xf32>
    %sub3A_55 = arith.subf %get3A_32, %sub3A_54 : vector<2048x64xf32>
    %add3A_56 = arith.constant 9.99999974E-6 : f32
    %add3A_57 = vector.broadcast %add3A_56 : f32 to vector<2048x1xf32>
    %add3A_58 = arith.addf %div3A_53, %add3A_57 : vector<2048x1xf32>
    %rsqrt3A_59 = math.rsqrt %add3A_58 : vector<2048x1xf32>
    %mul3A_60 = vector.broadcast %rsqrt3A_59 : vector<2048x1xf32> to vector<2048x64xf32>
    %mul3A_61 = arith.mulf %sub3A_55, %mul3A_60 : vector<2048x64xf32>
    %broadcast_in_dim3A_62 = vector.shape_cast %get3A_34 : vector<64xf32> to vector<1x64xf32>
    %mul3A_63 = vector.broadcast %broadcast_in_dim3A_62 : vector<1x64xf32> to vector<2048x64xf32>
    %mul3A_64 = arith.mulf %mul3A_61, %mul3A_63 : vector<2048x64xf32>
    %broadcast_in_dim3A_65 = vector.shape_cast %get3A_36 : vector<64xf32> to vector<1x64xf32>
    %add3A_66 = vector.broadcast %broadcast_in_dim3A_65 : vector<1x64xf32> to vector<2048x64xf32>
    %add3A_67 = arith.addf %mul3A_64, %add3A_66 : vector<2048x64xf32>
    %get3A_68 = arith.constant 0 : index
    %get3A_69 = arith.constant 0 : index
    %get3A_70 = vector.load %arg3[%get3A_68, %get3A_69] : memref<2048x32xf32, #tpu.memory_space<vmem>>, vector<2048x32xf32>
    %get3A_71 = arith.constant 0 : index
    %get3A_72 = arith.constant 0 : index
    %get3A_73 = vector.load %arg4[%get3A_71, %get3A_72] : memref<2048x32xf32, #tpu.memory_space<vmem>>, vector<2048x32xf32>
    %concatenate3A = tpu.concatenate %get3A_70, %get3A_73, %add3A_29, %add3A_67 in 1 : vector<2048x32xf32>, vector<2048x32xf32>, vector<2048x64xf32>, vector<2048x64xf32> -> vector<2048x192xf32>
    %get3A_74 = arith.constant 0 : index
    %get3A_75 = arith.constant 0 : index
    %get3A_76 = vector.load %arg11[%get3A_74, %get3A_75] : memref<192x512xf32, #tpu.memory_space<vmem>>, vector<192x512xf32>
    %dot_general3A = arith.constant dense<0.000000e+00> : vector<2048x512xf32>
    %dot_general3A_77 = tpu.matmul %concatenate3A, %get3A_76, %dot_general3A {dimension_numbers = #tpu.dot_dimension_numbers<[1], [0], [0], [1], [0, 0, 1, 1], [], []>, transpose_lhs_hint = false} : vector<2048x192xf32>, vector<192x512xf32>, vector<2048x512xf32> -> vector<2048x512xf32>
    %get3A_78 = arith.constant 0 : index
    %get3A_79 = vector.load %arg12[%get3A_78] : memref<512xf32, #tpu.memory_space<vmem>>, vector<512xf32>
    %broadcast_in_dim3A_80 = vector.shape_cast %get3A_79 : vector<512xf32> to vector<1x512xf32>
    %add3A_81 = vector.broadcast %broadcast_in_dim3A_80 : vector<1x512xf32> to vector<2048x512xf32>
    %add3A_82 = arith.addf %dot_general3A_77, %add3A_81 : vector<2048x512xf32>
    %max3A = arith.constant 0.000000e+00 : f32
    %max3A_83 = vector.broadcast %max3A : f32 to vector<2048x512xf32>
    %max3A_84 = arith.maximumf %add3A_82, %max3A_83 : vector<2048x512xf32>
    %get3A_85 = arith.constant 0 : index
    %get3A_86 = arith.constant 0 : index
    %get3A_87 = vector.load %arg13[%get3A_85, %get3A_86] : memref<512x256xf32, #tpu.memory_space<vmem>>, vector<512x256xf32>
    %dot_general3A_88 = arith.constant dense<0.000000e+00> : vector<2048x256xf32>
    %dot_general3A_89 = tpu.matmul %max3A_84, %get3A_87, %dot_general3A_88 {dimension_numbers = #tpu.dot_dimension_numbers<[1], [0], [0], [1], [0, 0, 1, 1], [], []>, transpose_lhs_hint = false} : vector<2048x512xf32>, vector<512x256xf32>, vector<2048x256xf32> -> vector<2048x256xf32>
    %get3A_90 = arith.constant 0 : index
    %get3A_91 = vector.load %arg14[%get3A_90] : memref<256xf32, #tpu.memory_space<vmem>>, vector<256xf32>
    %broadcast_in_dim3A_92 = vector.shape_cast %get3A_91 : vector<256xf32> to vector<1x256xf32>
    %add3A_93 = vector.broadcast %broadcast_in_dim3A_92 : vector<1x256xf32> to vector<2048x256xf32>
    %add3A_94 = arith.addf %dot_general3A_89, %add3A_93 : vector<2048x256xf32>
    %max3A_95 = arith.constant 0.000000e+00 : f32
    %max3A_96 = vector.broadcast %max3A_95 : f32 to vector<2048x256xf32>
    %max3A_97 = arith.maximumf %add3A_94, %max3A_96 : vector<2048x256xf32>
    %get3A_98 = arith.constant 0 : index
    %get3A_99 = arith.constant 0 : index
    %get3A_100 = vector.load %arg15[%get3A_98, %get3A_99] : memref<256x128xf32, #tpu.memory_space<vmem>>, vector<256x128xf32>
    %dot_general3A_101 = arith.constant dense<0.000000e+00> : vector<2048x128xf32>
    %dot_general3A_102 = tpu.matmul %max3A_97, %get3A_100, %dot_general3A_101 {dimension_numbers = #tpu.dot_dimension_numbers<[1], [0], [0], [1], [0, 0, 1, 1], [], []>, transpose_lhs_hint = false} : vector<2048x256xf32>, vector<256x128xf32>, vector<2048x128xf32> -> vector<2048x128xf32>
    %get3A_103 = arith.constant 0 : index
    %get3A_104 = vector.load %arg16[%get3A_103] : memref<128xf32, #tpu.memory_space<vmem>>, vector<128xf32>
    %broadcast_in_dim3A_105 = vector.shape_cast %get3A_104 : vector<128xf32> to vector<1x128xf32>
    %add3A_106 = vector.broadcast %broadcast_in_dim3A_105 : vector<1x128xf32> to vector<2048x128xf32>
    %add3A_107 = arith.addf %dot_general3A_102, %add3A_106 : vector<2048x128xf32>
    %max3A_108 = arith.constant 0.000000e+00 : f32
    %max3A_109 = vector.broadcast %max3A_108 : f32 to vector<2048x128xf32>
    %max3A_110 = arith.maximumf %add3A_107, %max3A_109 : vector<2048x128xf32>
    %get3A_111 = arith.constant 0 : index
    %get3A_112 = arith.constant 0 : index
    %get3A_113 = vector.load %arg17[%get3A_111, %get3A_112] : memref<128x64xf32, #tpu.memory_space<vmem>>, vector<128x64xf32>
    %dot_general3A_114 = arith.constant dense<0.000000e+00> : vector<2048x64xf32>
    %dot_general3A_115 = tpu.matmul %max3A_110, %get3A_113, %dot_general3A_114 {dimension_numbers = #tpu.dot_dimension_numbers<[1], [0], [0], [1], [0, 0, 1, 1], [], []>, transpose_lhs_hint = false} : vector<2048x128xf32>, vector<128x64xf32>, vector<2048x64xf32> -> vector<2048x64xf32>
    %get3A_116 = arith.constant 0 : index
    %get3A_117 = vector.load %arg18[%get3A_116] : memref<64xf32, #tpu.memory_space<vmem>>, vector<64xf32>
    %broadcast_in_dim3A_118 = vector.shape_cast %get3A_117 : vector<64xf32> to vector<1x64xf32>
    %add3A_119 = vector.broadcast %broadcast_in_dim3A_118 : vector<1x64xf32> to vector<2048x64xf32>
    %add3A_120 = arith.addf %dot_general3A_115, %add3A_119 : vector<2048x64xf32>
    %max3A_121 = arith.constant 0.000000e+00 : f32
    %max3A_122 = vector.broadcast %max3A_121 : f32 to vector<2048x64xf32>
    %max3A_123 = arith.maximumf %add3A_120, %max3A_122 : vector<2048x64xf32>
    %get3A_124 = arith.constant 0 : index
    %get3A_125 = arith.constant 0 : index
    %get3A_126 = vector.load %arg1[%get3A_124, %get3A_125] : memref<2048x32xf32, #tpu.memory_space<vmem>>, vector<2048x32xf32>
    %get3A_127 = arith.constant 0 : index
    %get3A_128 = arith.constant 0 : index
    %get3A_129 = vector.load %arg2[%get3A_127, %get3A_128] : memref<2048x32xf32, #tpu.memory_space<vmem>>, vector<2048x32xf32>
    %mul3A_130 = arith.mulf %get3A_126, %get3A_129 : vector<2048x32xf32>
    %concatenate3A_131 = tpu.concatenate %mul3A_130, %max3A_123 in 1 : vector<2048x32xf32>, vector<2048x64xf32> -> vector<2048x96xf32>
    %get3A_132 = arith.constant 0 : index
    %get3A_133 = vector.load %arg19[%get3A_132] : memref<96xf32, #tpu.memory_space<vmem>>, vector<96xf32>
    %broadcast_in_dim3A_134 = vector.shape_cast %get3A_133 : vector<96xf32> to vector<1x96xf32>
    %mul3A_135 = vector.broadcast %broadcast_in_dim3A_134 : vector<1x96xf32> to vector<2048x96xf32>
    %mul3A_136 = arith.mulf %concatenate3A_131, %mul3A_135 : vector<2048x96xf32>
    %reduce_sum3A_137 = arith.constant dense<0.000000e+00> : vector<2048xf32>
    %reduce_sum3A_138 = vector.multi_reduction <add>, %mul3A_136, %reduce_sum3A_137 [1] : vector<2048x96xf32> to vector<2048xf32>
    %broadcast_in_dim3A_139 = vector.shape_cast %reduce_sum3A_138 : vector<2048xf32> to vector<2048x1xf32>
    %get3A_140 = arith.constant 0 : index
    %get3A_141 = vector.load %arg20[%get3A_140] : memref<1xf32, #tpu.memory_space<vmem>>, vector<1xf32>
    %squeeze3A = vector.extract %get3A_141[0] : f32 from vector<1xf32>
    %add3A_142 = vector.broadcast %squeeze3A : f32 to vector<2048x1xf32>
    %add3A_143 = arith.addf %broadcast_in_dim3A_139, %add3A_142 : vector<2048x1xf32>
    %swap3A = arith.constant 0 : index
    %swap3A_144 = arith.constant 0 : index
    %swap3A_145 = vector.load %arg21[%swap3A, %swap3A_144] : memref<2048x1xf32, #tpu.memory_space<vmem>>, vector<2048x1xf32>
    tpu.vector_store %arg21[%swap3A, %swap3A_144], %add3A_143 {strides = array<i32>} : memref<2048x1xf32, #tpu.memory_space<vmem>>, vector<2048x1xf32>,
    return
  }
  func.func @transform_0(%arg0: i32) -> (i32, i32) {
    %c0_i32 = arith.constant 0 : i32
    %c0_i32_0 = arith.constant 0 : i32
    return %arg0, %c0_i32 : i32, i32
  }
  func.func @transform_1(%arg0: i32) -> (i32, i32) {
    %c0_i32 = arith.constant 0 : i32
    %c0_i32_0 = arith.constant 0 : i32
    return %arg0, %c0_i32 : i32, i32
  }
  func.func @transform_2(%arg0: i32) -> (i32, i32) {
    %c0_i32 = arith.constant 0 : i32
    %c0_i32_0 = arith.constant 0 : i32
    return %arg0, %c0_i32 : i32, i32
  }
  func.func @transform_3(%arg0: i32) -> (i32, i32) {
    %c0_i32 = arith.constant 0 : i32
    %c0_i32_0 = arith.constant 0 : i32
    return %arg0, %c0_i32 : i32, i32
  }
  func.func @transform_4(%arg0: i32) -> (i32, i32) {
    %c0_i32 = arith.constant 0 : i32
    %c0_i32_0 = arith.constant 0 : i32
    return %arg0, %c0_i32 : i32, i32
  }
  func.func @transform_5(%arg0: i32) -> (i32, i32) {
    %c0_i32 = arith.constant 0 : i32
    %c0_i32_0 = arith.constant 0 : i32
    return %arg0, %c0_i32 : i32, i32
  }
  func.func @transform_6(%arg0: i32) -> i32 {
    %c0_i32 = arith.constant 0 : i32
    %c0_i32_0 = arith.constant 0 : i32
    return %c0_i32 : i32
  }
  func.func @transform_7(%arg0: i32) -> i32 {
    %c0_i32 = arith.constant 0 : i32
    %c0_i32_0 = arith.constant 0 : i32
    return %c0_i32 : i32
  }
  func.func @transform_8(%arg0: i32) -> i32 {
    %c0_i32 = arith.constant 0 : i32
    %c0_i32_0 = arith.constant 0 : i32
    return %c0_i32 : i32
  }
  func.func @transform_9(%arg0: i32) -> i32 {
    %c0_i32 = arith.constant 0 : i32
    %c0_i32_0 = arith.constant 0 : i32
    return %c0_i32 : i32
  }
  func.func @transform_10(%arg0: i32) -> (i32, i32) {
    %c0_i32 = arith.constant 0 : i32
    %c0_i32_0 = arith.constant 0 : i32
    %c0_i32_1 = arith.constant 0 : i32
    return %c0_i32, %c0_i32_0 : i32, i32
  }
  func.func @transform_11(%arg0: i32) -> i32 {
    %c0_i32 = arith.constant 0 : i32
    %c0_i32_0 = arith.constant 0 : i32
    return %c0_i32 : i32
  }
  func.func @transform_12(%arg0: i32) -> (i32, i32) {
    %c0_i32 = arith.constant 0 : i32
    %c0_i32_0 = arith.constant 0 : i32
    %c0_i32_1 = arith.constant 0 : i32
    return %c0_i32, %c0_i32_0 : i32, i32
  }
  func.func @transform_13(%arg0: i32) -> i32 {
    %c0_i32 = arith.constant 0 : i32
    %c0_i32_0 = arith.constant 0 : i32
    return %c0_i32 : i32
  }
  func.func @transform_14(%arg0: i32) -> (i32, i32) {
    %c0_i32 = arith.constant 0 : i32
    %c0_i32_0 = arith.constant 0 : i32
    %c0_i32_1 = arith.constant 0 : i32
    return %c0_i32, %c0_i32_0 : i32, i32
  }
  func.func @transform_15(%arg0: i32) -> i32 {
    %c0_i32 = arith.constant 0 : i32
    %c0_i32_0 = arith.constant 0 : i32
    return %c0_i32 : i32
  }
  func.func @transform_16(%arg0: i32) -> (i32, i32) {
    %c0_i32 = arith.constant 0 : i32
    %c0_i32_0 = arith.constant 0 : i32
    %c0_i32_1 = arith.constant 0 : i32
    return %c0_i32, %c0_i32_0 : i32, i32
  }
  func.func @transform_17(%arg0: i32) -> i32 {
    %c0_i32 = arith.constant 0 : i32
    %c0_i32_0 = arith.constant 0 : i32
    return %c0_i32 : i32
  }
  func.func @transform_18(%arg0: i32) -> i32 {
    %c0_i32 = arith.constant 0 : i32
    %c0_i32_0 = arith.constant 0 : i32
    return %c0_i32 : i32
  }
  func.func @transform_19(%arg0: i32) -> i32 {
    %c0_i32 = arith.constant 0 : i32
    %c0_i32_0 = arith.constant 0 : i32
    return %c0_i32 : i32
  }
  func.func @transform_20(%arg0: i32) -> (i32, i32) {
    %c0_i32 = arith.constant 0 : i32
    %c0_i32_0 = arith.constant 0 : i32
    return %arg0, %c0_i32 : i32, i32
  }
}

</mosaic_0001>

<sc_bundles>
// kernel: kernel.4.cloned.1.call-start
scs
__scs_entry_jumppad:
0x0: {  	(pc) =	sbr.rel $0x88, $3  }
0x1: {  	(tag) =	ssettag $0x0;
	lr =	simm.s32 $0x1  }
0x2: {  	[smem:$0x3F8B] =	sst lr;
	_ =	strace $0xD0000000  }
0x3: {  	_ = 	snop  }
0x4: {  	_ = 	snop  }
0x5: {  	_ = 	snop  }
0x6: {  	_ = 	snop  }
0x7: {  	_ = 	snop  }
__scs_overlays_trampoline_lowered:
0x8: {  	[smem:$0x3F9A] =	sst s0  }
0x9: {  	[smem:$0x3F9B] =	sst s1  }
0xa: {  	[smem:$0x3F9C] =	sst s2  }
0xb: {  	[smem:$0x3F9D] =	sst s3  }
0xc: {  	[smem:$0x3F9E] =	sst s4  }
0xd: {  	[smem:$0x3F9F] =	sst s5  }
0xe: {  	[smem:$0x3FA0] =	sst s6  }
0xf: {  	[smem:$0x3FA1] =	sst s7  }
0x10: {  	[smem:$0x3FA2] =	sst s8  }
0x11: {  	[smem:$0x3FA3] =	sst s9;
	s0 =	simm.s32 @!p0 $0x0  }
0x12: {  	s1 =	sld [smem:$0x3F89];
	s0 =	simm.s32 @p0 $0x1  }
0x13: {  	[smem:$0x3FA4] =	sst s0;
	s0 =	simm.s32 @!p1 $0x0  }
0x14: {  	s2 =	sld [smem:$0x3F88];
	s0 =	simm.s32 @p1 $0x1  }
0x15: {  	[smem:$0x3FA5] =	sst s0;
	s0 =	simm.s32 @!p2 $0x0  }
0x16: {  	s3 =	sld [smem:$0x3FDB];
	s0 =	simm.s32 @p2 $0x1  }
0x17: {  	s4 =	simm.s32 $0x1BF5;
	[smem:$0x3FA7] =	sst s0  }
0x18: {  	s0 =	sld [smem:$0x3F8A];
	_ =	swait.ge [sflag:s4], $0x0  }
0x19: {  	s7 =	sld [smem:$0x3F8B]  }
0x1a: {  	s8 =	sadd.s32 $0xFFFFE003, lr  }
0x1b: {  	s9 =	sadd.s32 $0xFFFFFEF7, lr;
	s5 =	simm.s32 $0xFFFFFFFF;
	p2 =	slt.u32 s8, $0xFFFFF086  }
0x1c: {  	p1 =	slt.u32 s9, $0xF7A;
	s5 =	simm.s32 @!p2 $0x0  }
0x1d: {  	s5 =	simm.s32 @p1 $0x1;
	p0 =	seq.s32 s7, s2  }
0x1e: {  	s7 =	smul.u32 @!p0 $0xF7A, s2;
	p2 =	seq.s32 @!p0 s5, $0x0  }
0x1f: {  	s9 =	smul.u32 $0xF7A, s1;
	s8 =	simm.s32 @!p0 $0x1BF5;
	p2 =	por !p2, p0  }
0x20: {  	[sflag:s8] =	ssyncset.s32 @!p0 $0xFFFFF086;
	s6 =	sadd.s32 @!p0 s3, s7;
	s7 =	simm.s32 @!p0 $0x108  }
0x21: {  	s3 =	sadd.s32 s3, s9;
	s6 =	sadd.s32 @!p0 $0x88, s6;
	s7 =	simm.s32 @p2 $0x1082  }
0x22: {  	[simem:s7], [sflag:s8] =	dma.local @!p0 [hbm:s6], $0xF7A  }
0x23: {  	s9 =	sor.u32 $0xD0000000, s2;
	s6 =	simm.s32 $0x108;
	_ =	swait.ge @!p0 [sflag:s8], $0x0  }
0x24: {  	s3 =	sadd.s32 $0x88, s3;
	s6 =	simm.s32 @!p1 $0x1082;
	[sflag:s4] =	ssyncset.s32 $0xFFFFF086  }
0x25: {  	[simem:s6], [sflag:s4] =	dma.local [hbm:s3], $0xF7A  }
0x26: {  	[smem:$0x3F8B] =	sst s1;
	(tag) =	ssettag s2;
	_ =	strace s9  }
0x27: {  	s1 =	sld [smem:$0x3F9B]  }
0x28: {  	s2 =	sld [smem:$0x3F9C]  }
0x29: {  	s4 =	sld [smem:$0x3F9E]  }
0x2a: {  	p0 =	seq.s32 s5, $0x0;
	s5 =	sld [smem:$0x3F9F]  }
0x2b: {  	s6 =	sld [smem:$0x3FA0]  }
0x2c: {  	s7 =	sld [smem:$0x3FA1]  }
0x2d: {  	s3 =	simm.s32 $0x108;
	s8 =	sld [smem:$0x3FA2]  }
0x2e: {  	s3 =	simm.s32 @!p0 $0x1082;
	s9 =	sld [smem:$0x3FA3]  }
0x2f: {  	lr =	sadd.s32 s0, s3;
	s0 =	sld [smem:$0x3F9A]  }
0x30: {  	s3 =	sld [smem:$0x3F9D]  }
0x31: {  	[smem:$0x3FA6] =	sst s10  }
0x32: {  	s10 =	sld [smem:$0x3FA4];
	_ =	sdelay $0x3  }
0x33: {  	p0 =	seq.s32 s10, $0x1;
	s10 =	sld [smem:$0x3FA6];
	_ =	sdelay $0x3  }
0x34: {  	[smem:$0x3FA6] =	sst s10  }
0x35: {  	s10 =	sld [smem:$0x3FA5];
	_ =	sdelay $0x3  }
0x36: {  	p1 =	seq.s32 s10, $0x1;
	s10 =	sld [smem:$0x3FA6];
	_ =	sdelay $0x3  }
0x37: {  	[smem:$0x3FA6] =	sst s10  }
0x38: {  	s10 =	sld [smem:$0x3FA7]  }
0x39: {  	_ = 	snop;
	(pc) =	sbr.ind lr, $3  }
0x3a: {  	_ = 	snop  }
0x3b: {  	_ = 	snop  }
0x3c: {  	p2 =	seq.s32 s10, $0x1;
	s10 =	sld [smem:$0x3FA6]  }
0x3d: {  	_ =	shalt  }
0x3e: {  	_ =	shalt  }
0x3f: {  	_ =	shalt  }
0x40: {  	_ =	shalt  }
0x41: {  	_ =	shalt  }
0x42: {  	_ =	shalt  }
0x43: {  	_ =	shalt  }
0x44: {  	_ =	shalt  }
0x45: {  	_ =	shalt  }
0x46: {  	_ =	shalt  }
0x47: {  	_ =	shalt  }
0x48: {  	_ =	shalt  }
0x49: {  	_ =	shalt  }
0x4a: {  	_ =	shalt  }
0x4b: {  	_ =	shalt  }
0x4c: {  	_ =	shalt  }
0x4d: {  	_ =	shalt  }
0x4e: {  	_ =	shalt  }
0x4f: {  	_ =	shalt  }
0x50: {  	_ =	shalt  }
0x51: {  	_ =	shalt  }
0x52: {  	_ =	shalt  }
0x53: {  	_ =	shalt  }
0x54: {  	_ =	shalt  }
0x55: {  	_ =	shalt  }
0x56: {  	_ =	shalt  }
0x57: {  	_ =	shalt  }
0x58: {  	_ =	shalt  }
0x59: {  	_ =	shalt  }
0x5a: {  	_ =	shalt  }
0x5b: {  	_ =	shalt  }
0x5c: {  	_ =	shalt  }
0x5d: {  	_ =	shalt  }
0x5e: {  	_ =	shalt  }
0x5f: {  	_ =	shalt  }
0x60: {  	_ =	shalt  }
0x61: {  	_ =	shalt  }
0x62: {  	_ =	shalt  }
0x63: {  	_ =	shalt  }
0x64: {  	_ =	shalt  }
0x65: {  	_ =	shalt  }
0x66: {  	_ =	shalt  }
0x67: {  	_ =	shalt  }
0x68: {  	_ =	shalt  }
0x69: {  	_ =	shalt  }
0x6a: {  	_ =	shalt  }
0x6b: {  	_ =	shalt  }
0x6c: {  	_ =	shalt  }
0x6d: {  	_ =	shalt  }
0x6e: {  	_ =	shalt  }
0x6f: {  	_ =	shalt  }
0x70: {  	_ =	shalt  }
0x71: {  	_ =	shalt  }
0x72: {  	_ =	shalt  }
0x73: {  	_ =	shalt  }
0x74: {  	_ =	shalt  }
0x75: {  	_ =	shalt  }
0x76: {  	_ =	shalt  }
0x77: {  	_ =	shalt  }
0x78: {  	_ =	shalt  }
0x79: {  	_ =	shalt  }
0x7a: {  	_ =	shalt  }
0x7b: {  	_ =	shalt  }
0x7c: {  	_ =	shalt  }
0x7d: {  	_ =	shalt  }
0x7e: {  	_ =	shalt  }
0x7f: {  	_ =	shalt  }
0x80: {  	_ =	shalt  }
0x81: {  	_ =	shalt  }
0x82: {  	_ =	shalt  }
0x83: {  	_ =	shalt  }
0x84: {  	_ =	shalt  }
0x85: {  	_ =	shalt  }
0x86: {  	_ =	shalt  }
0x87: {  	_ =	shalt  }
.Lfunc_end0:
.L_simem_size_0:
called_computation_lowered:
.L_overlay_start_0:
0x88: {  	s2 =	sld [smem:$0x3FD9]  }
0x89: {  	s3 =	sld [smem:$0x3FFE];
	_ =	sdelay $0x1  }
0x8a: {  	s1 =	srdreg.scid  }
0x8b: {  	s0 =	sand.u32 $0x1, s1  }
0x8c: {  	s17 =	sshll.u32 s0, $0xA;
	s2 =	sadd.s32 s3, s2  }
0x8d: {  	s2 =	sadd.s32 s2, s17  }
0x8e: {  	[smem:$0x3FB2] =	sst s2  }
0x8f: {  	_ = 	snop  }
0x90: {  	s2 =	sld [smem:$0x3FC9]  }
0x91: {  	s18 =	sld [smem:$0x3FC8];
	(tm) =	ssettm $0x1  }
0x92: {  	s4 =	sld [smem:$0x3FFB];
	_ =	sdelay $0x3  }
0x93: {  	_ =	strace s4  }
0x94: {  	s4 =	sld [smem:$0x3FFC];
	_ =	sdelay $0x3  }
0x95: {  	_ =	strace s4  }
0x96: {  	s4 =	sld [smem:$0x3FFD];
	_ =	sdelay $0x3  }
0x97: {  	_ =	strace s4  }
0x98: {  	_ =	strace $0x8FFFFFFF  }
0x99: {  	s19 =	sld [smem:$0x3FDB];
	_ =	sdelay $0x1  }
0x9a: {  	s5 =	simm.s32 $_scs_section_size  }
0x9b: {  	s6 =	simm.s32 $_size__tile_overlayer_lowered;
	s7 =	simm.s32 $_tile_overlayer_lowered  }
0x9c: {  	s22 =	simm.s32 $0x1BFF;
	s21 =	sshll.u32 s7, $0x1;
	s4 =	sadd.s32 s5, s19  }
0x9d: {  	s8 =	simm.s32 $0x0;
	s20 =	sshll.u32 s6, $0x1;
	s6 =	sadd.s32 s21, s4  }
0x9e: {  	[timem:s8], [sflag:s22] =	dma.local [hbm:s6], s20  }
0x9f: {  	_ =	swait.ge [sflag:s22], s20  }
0xa0: {  	s5 =	ssub.s32 $0x0, s20;
	[sflag:s22] =	ssyncset.done $0x0  }
0xa1: {  	[sflag:s22] =	ssyncadd.s32 s5;
	_ =	sdelay $0x1  }
0xa2: {  	s23 =	simm.s32 $0x1B8B  }
0xa3: {  	_ =	swait.ge [sflag:s23], $0x1  }
0xa4: {  	[sflag:s23] =	ssyncset.done $0x0  }
0xa5: {  	s25 =	simm.s32 $0x1B8E;
	s24 =	sld [smem:$0x3FFE];
	[sflag:s23] =	ssyncadd.s32 $0xFFFFFFFF  }
0xa6: {  	s26 =	simm.s32 $execute0_lowered;
	[smem:$0x3FD2] =	sst s25  }
0xa7: {  	s6 =	sshll.u32 s26, $0x1;
	_ =	strace $0x80000046;
	[dreg:$0x1] =	wrdreg $0xFFFFFFFF  }
0xa8: {  	s28 =	simm.s32 $_size_execute0_lowered;
	s4 =	sadd.s32 s4, s6;
	[dreg:$0x0] =	wrdreg $0x0  }
0xa9: {  	s6 =	sshll.u32 s28, $0x1;
	[dreg:$0x2] =	wrdreg s4  }
0xaa: {  	[dreg:$0x3] =	wrdreg s6  }
0xab: {  	[dreg:$0x4] =	wrdreg $0xC0  }
0xac: {  	_ =	task [dreg:s8], $0x5FFFF  }
0xad: {  	[dreg:$0x1] =	wrdreg $0xFFFFFFFF  }
0xae: {  	[dreg:$0x0] =	wrdreg $0x60  }
0xaf: {  	[dreg:$0x2] =	wrdreg s2  }
0xb0: {  	[dreg:$0x3] =	wrdreg s18  }
0xb1: {  	[dreg:$0x4] =	wrdreg s24  }
0xb2: {  	[dreg:$0x5] =	wrdreg $0x9  }
0xb3: {  	_ =	task.clear_ibuf [dreg:s8], $0x6FFFF;
	_ =	strace $0x90000046  }
0xb4: {  	s29 =	simm.s32 $0x9;
	_ =	strace $0x80000048  }
0xb5: {  	_ =	swait.ge [sflag:s29], $0x1  }
0xb6: {  	[sflag:s29] =	ssyncadd.s32 $0xFFFFFFFF  }
0xb7: {  	_ =	strace $0x90000048  }
0xb8: {  	_ =	sfence  }
0xb9: {  	s30 =	sld [smem:$0x0];
	_ =	sdelay $0x2  }
0xba: {  	s31 =	sshll.u32 s1, $0xD;
	s1 =	sshrl.u32 s1, $0x2  }
0xbb: {  	s3 =	sand.u32 $0x4000, s31;
	s1 =	sadd.s32 s1, s30  }
0xbc: {  	s0 =	sor.u32 s3, s0;
	s1 =	sshll.u32 s1, $0x11  }
0xbd: {  	s0 =	sor.u32 s1, s0  }
0xbe: {  	s0 =	sadd.s32 $0x8F2B, s0  }
0xbf: {  	[sflag:s0] =	ssyncadd.remote.s32 $0x1  }
0xc0: {  	_ =	sfence.sel $0xFFFF  }
0xc1: {  	[dreg:$0x0] =	wrdreg $0xFFFFFFFF;
	(pc) =	sbr.abs _section_cstart, $3  }
0xc2: {  	[dreg:$0x1] =	wrdreg $0xFFFFFFFF  }
0xc3: {  	_ =	task.clear_ibuf [dreg:s8], $0x2FFFF;
	_ =	strace $0x9FFFFFFF  }
0xc4: {  	(tm) =	ssettm $0x7FFFFFFF  }
0xc5: {  	_ =	shalt  }
tec
execute0_lowered:
.L_overlay_start_1:
0x0: {  	(tag) =	ssettag $0x1  }
0x1: {  	s0 =	rddreg [dreg:$0x0]  }
0x2: {  	s1 =	rddreg [dreg:$0x1]  }
0x3: {  	s3 =	rddreg [dreg:$0x2]  }
0x4: {  	s2 =	simm.s32 $0x0;
	s4 =	srdreg.scid;
	s5 =	stileid.u32  }
0x5: {  	s30 =	simm.s32 $0x200;
	s31 =	simm.s32 $0x280;
	p0 =	por $0x0, $0x0  }
0x6: {  	s28 =	simm.s32 $0x100;
	s29 =	simm.s32 $0x300;
	[smem:$0x7FF] =	sst s2  }
0x7: {  	s4 =	sand.u32 $0x1, s4;
	s5 =	sshll.u32 s5, $0xA;
	s9 =	sadd.s32 $0x1E86600, s3  }
0x8: {  	s8 =	sadd.s32 $0x2257000, s3;
	s10 =	sadd.s32 $0x29F8400, s3;
	s6 =	sshll.u32 s4, $0x9  }
0x9: {  	s18 =	sadd.s32 $0x71E00, s3;
	s11 =	sadd.s32 $0x61E00, s3;
	s5 =	sor.u32 s6, s5  }
0xa: {  	s12 =	sadd.s32 $0x51E00, s3;
	s21 =	sadd.s32 $0x41E00, s3;
	s7 =	sshrl.u32 s5, $0x3  }
0xb: {  	s13 =	sadd.s32 $0x21E00, s3;
	_ =	strace $0x80000047;
	s0 =	sadd.s32 s0, s7  }
0xc: {  	s20 =	sshll.u32 s5, $0x2;
	s19 =	sadd.s32 s1, s7;
	[dreg:$0x4] =	wrdreg s0  }
0xd: {  	s15 =	sadd.s32 $0x1E00, s3;
	s22 =	sadd.s32 s18, s20;
	[dreg:$0x5] =	wrdreg s19  }
0xe: {  	s4 =	ssub.s32 $0x2, s4;
	s23 =	sadd.s32 s11, s20;
	[dreg:$0x6] =	wrdreg s22  }
0xf: {  	s6 =	simm.s32 $0x8400;
	s24 =	sadd.s32 s12, s20;
	[dreg:$0x7] =	wrdreg s23  }
0x10: {  	s26 =	sshll.u32 s5, $0x3;
	s25 =	sadd.s32 s21, s20;
	[dreg:$0x8] =	wrdreg s24  }
0x11: {  	s5 =	sor.u32 $0x100, s5;
	s14 =	sadd.s32 s13, s26;
	[dreg:$0x9] =	wrdreg s25  }
0x12: {  	s16 =	sadd.s32 s15, s26;
	s17 =	sshll.u32 s5, $0x2;
	[dreg:$0xa] =	wrdreg s14  }
0x13: {  	s7 =	simm.s32 $0x6400;
	s14 =	sadd.s32 $0x2627A00, s3;
	[dreg:$0xb] =	wrdreg s16  }
0x14: {  	s18 =	sadd.s32 s18, s17;
	s16 =	sadd.s32 $0x16E5400, s3;
	s19 =	sadd.s32 s11, s17  }
0x15: {  	s20 =	sadd.s32 s12, s17;
	s21 =	sadd.s32 s21, s17;
	s22 =	sshll.u32 s5, $0x3  }
0x16: {  	s23 =	sshrl.u32 s4, $0x1;
	s17 =	sadd.s32 $0xF44200, s3;
	[dreg:$0xc] =	wrdreg s18  }
0x17: {  	s3 =	simm.s32 $0x2;
	s12 =	simm.s32 $0x2400;
	[dreg:$0xd] =	wrdreg s19  }
0x18: {  	s11 =	simm.s32 $0x4400;
	[dreg:$0xe] =	wrdreg s20;
	s25 =	ssub.s32 s4, s23  }
0x19: {  	s5 =	simm.s32 $0xC400;
	[dreg:$0xf] =	wrdreg s21;
	s26 =	smax.u32 s25, $0x1  }
0x1a: {  	s24 =	sadd.s32 s13, s22;
	s4 =	sadd.s32 s15, s22;
	p1 =	sne.s32 s26, $0x1  }
.Ltmp0:
0x1b: {  	s18 =	simm.s32 $0x80;
	s13 =	simm.s32 $0x400;
	(pc) =	sbr.rel @!p1 .LBB2_3-.Ltmp0, $4  }
0x1c: {  	s19 =	simm.s32 $0x1400;
	s20 =	simm.s32 $0x3400;
	s21 =	simm.s32 $0x5400  }
0x1d: {  	s22 =	simm.s32 $0x7400;
	s23 =	simm.s32 $0xA400;
	s1 =	rddreg [dreg:$0x4]  }
0x1e: {  	s15 =	simm.s32 $0x1;
	[dreg:$0x10] =	wrdreg s24;
	s24 =	simm.s32 $0xE400  }
0x1f: {  	s25 =	simm.s32 $0x180;
	s0 =	sadd.s32 $0xFFFFFFFF, s26;
	s26 =	simm.s32 $0x380  }
0x20: {  	[tilespmem:s2], [sflag:$0x2] =	stream.linear.gather [hbm4b:s1+s2], $0x200, $0x38;
	[tilespmem:$0x10400] =	vst v63  }
0x21: {  	_ =	swait.ge [sflag:s3], $0x200  }
0x22: {  	[sflag:s3] =	ssyncset.done $0x0  }
0x23: {  	s1 =	rddreg [dreg:$0x5];
	[sflag:s3] =	ssyncadd.s32 $0xFFFFFE00  }
0x24: {  	[tilespmem:s30], [sflag:$0x2] =	stream.linear.gather [hbm4b:s1+s2], $0x200, $0x38;
	[tilespmem:$0x10400] =	vst v63  }
0x25: {  	_ =	swait.ge [sflag:s3], $0x200  }
0x26: {  	[sflag:s3] =	ssyncset.done $0x0  }
0x27: {  	[sflag:s3] =	ssyncadd.s32 $0xFFFFFE00  }
0x28: {  	[tilespmem:s13], [sflag:$0x1] =	stream.indirect.gather [hbm4b:s8+s18], $0x20, s2, s18, $0xb8;
	[tilespmem:$0x10400] =	vst v63  }
0x29: {  	_ = 	snop  }
0x2a: {  	[tilespmem:s12], [sflag:$0x1] =	stream.indirect.gather [hbm4b:s9+s18], $0x20, s30, s18, $0xb8;
	[tilespmem:$0x10400] =	vst v63  }
0x2b: {  	_ = 	snop  }
0x2c: {  	[tilespmem:s11], [sflag:$0x1] =	stream.indirect.gather [hbm4b:s10+s18], $0x20, s2, s18, $0xb8;
	[tilespmem:$0x10400] =	vst v63  }
0x2d: {  	_ = 	snop  }
0x2e: {  	[tilespmem:s7], [sflag:$0x1] =	stream.indirect.gather [hbm4b:s14+s18], $0x20, s30, s18, $0xb8;
	[tilespmem:$0x10400] =	vst v63  }
0x2f: {  	_ = 	snop  }
0x30: {  	[tilespmem:s6], [sflag:$0x1] =	stream.indirect.gather [hbm4b:s16+s18], $0x40, s2, s18, $0xb8;
	[tilespmem:$0x10400] =	vst v63  }
0x31: {  	_ = 	snop  }
0x32: {  	[tilespmem:s5], [sflag:$0x1] =	stream.indirect.gather [hbm4b:s17+s18], $0x40, s30, s18, $0xb8;
	[tilespmem:$0x10400] =	vst v63  }
0x33: {  	_ = 	snop  }
0x34: {  	[tilespmem:s19], [sflag:$0x1] =	stream.indirect.gather [hbm4b:s8+s18], $0x20, s18, s18, $0xb8;
	[tilespmem:$0x10400] =	vst v63  }
0x35: {  	_ = 	snop  }
0x36: {  	[tilespmem:s20], [sflag:$0x1] =	stream.indirect.gather [hbm4b:s9+s18], $0x20, s31, s18, $0xb8;
	[tilespmem:$0x10400] =	vst v63  }
0x37: {  	_ = 	snop  }
0x38: {  	[tilespmem:s21], [sflag:$0x1] =	stream.indirect.gather [hbm4b:s10+s18], $0x20, s18, s18, $0xb8;
	[tilespmem:$0x10400] =	vst v63  }
0x39: {  	_ = 	snop  }
0x3a: {  	[tilespmem:s22], [sflag:$0x1] =	stream.indirect.gather [hbm4b:s14+s18], $0x20, s31, s18, $0xb8;
	[tilespmem:$0x10400] =	vst v63  }
0x3b: {  	_ = 	snop  }
0x3c: {  	[tilespmem:s23], [sflag:$0x1] =	stream.indirect.gather [hbm4b:s16+s18], $0x40, s18, s18, $0xb8;
	[tilespmem:$0x10400] =	vst v63  }
0x3d: {  	_ = 	snop  }
0x3e: {  	[tilespmem:s24], [sflag:$0x1] =	stream.indirect.gather [hbm4b:s17+s18], $0x40, s31, s18, $0xb8;
	[tilespmem:$0x10400] =	vst v63  }
0x3f: {  	_ =	swait.ge [sflag:s15], $0x1000  }
0x40: {  	[sflag:s15] =	ssyncset.done $0x0  }
0x41: {  	[sflag:s15] =	ssyncadd.s32 $0xFFFFF000  }
0x42: {  	_ =	swait.ge [sflag:s15], $0x1000  }
0x43: {  	[sflag:s15] =	ssyncset.done $0x0  }
0x44: {  	[sflag:s15] =	ssyncadd.s32 $0xFFFFF000  }
0x45: {  	_ =	swait.ge [sflag:s15], $0x1000  }
0x46: {  	[sflag:s15] =	ssyncset.done $0x0  }
0x47: {  	[sflag:s15] =	ssyncadd.s32 $0xFFFFF000  }
0x48: {  	_ =	swait.ge [sflag:s15], $0x1000  }
0x49: {  	[sflag:s15] =	ssyncset.done $0x0  }
0x4a: {  	[sflag:s15] =	ssyncadd.s32 $0xFFFFF000  }
0x4b: {  	_ =	swait.ge [sflag:s15], $0x2000  }
0x4c: {  	[sflag:s15] =	ssyncset.done $0x0  }
0x4d: {  	[sflag:s15] =	ssyncadd.s32 $0xFFFFE000  }
0x4e: {  	_ =	swait.ge [sflag:s15], $0x2000  }
0x4f: {  	[sflag:s15] =	ssyncset.done $0x0  }
0x50: {  	[sflag:s15] =	ssyncadd.s32 $0xFFFFE000  }
0x51: {  	_ =	swait.ge [sflag:s15], $0x1000  }
0x52: {  	[sflag:s15] =	ssyncset.done $0x0  }
0x53: {  	[sflag:s15] =	ssyncadd.s32 $0xFFFFF000  }
0x54: {  	_ =	swait.ge [sflag:s15], $0x1000  }
0x55: {  	[sflag:s15] =	ssyncset.done $0x0  }
0x56: {  	[sflag:s15] =	ssyncadd.s32 $0xFFFFF000  }
0x57: {  	_ =	swait.ge [sflag:s15], $0x1000  }
0x58: {  	[sflag:s15] =	ssyncset.done $0x0  }
0x59: {  	[sflag:s15] =	ssyncadd.s32 $0xFFFFF000  }
0x5a: {  	_ =	swait.ge [sflag:s15], $0x1000  }
0x5b: {  	[sflag:s15] =	ssyncset.done $0x0  }
0x5c: {  	[sflag:s15] =	ssyncadd.s32 $0xFFFFF000  }
0x5d: {  	_ =	swait.ge [sflag:s15], $0x2000  }
0x5e: {  	[sflag:s15] =	ssyncset.done $0x0  }
0x5f: {  	[sflag:s15] =	ssyncadd.s32 $0xFFFFE000  }
0x60: {  	_ =	swait.ge [sflag:s15], $0x2000  }
0x61: {  	[sflag:s15] =	ssyncset.done $0x0  }
0x62: {  	s1 =	rddreg [dreg:$0x6];
	[sflag:s15] =	ssyncadd.s32 $0xFFFFE000  }
0x63: {  	[hbm4b:s1+s2] =	stream.linear.scatter [tilespmem:s13], [sflag:$0x2], $0x2000, $0x38;
	[tilespmem:$0x10400] =	vst v63  }
0x64: {  	_ =	swait.ge [sflag:s3], $0x2000  }
0x65: {  	[sflag:s3] =	ssyncset.done $0x0  }
0x66: {  	s1 =	rddreg [dreg:$0x7];
	[sflag:s3] =	ssyncadd.s32 $0xFFFFE000  }
0x67: {  	[hbm4b:s1+s2] =	stream.linear.scatter [tilespmem:s12], [sflag:$0x2], $0x2000, $0x38;
	[tilespmem:$0x10400] =	vst v63  }
0x68: {  	_ =	swait.ge [sflag:s3], $0x2000  }
0x69: {  	[sflag:s3] =	ssyncset.done $0x0  }
0x6a: {  	s1 =	rddreg [dreg:$0x8];
	[sflag:s3] =	ssyncadd.s32 $0xFFFFE000  }
0x6b: {  	[hbm4b:s1+s2] =	stream.linear.scatter [tilespmem:s11], [sflag:$0x2], $0x2000, $0x38;
	[tilespmem:$0x10400] =	vst v63  }
0x6c: {  	_ =	swait.ge [sflag:s3], $0x2000  }
0x6d: {  	[sflag:s3] =	ssyncset.done $0x0  }
0x6e: {  	s1 =	rddreg [dreg:$0x9];
	[sflag:s3] =	ssyncadd.s32 $0xFFFFE000  }
0x6f: {  	[hbm4b:s1+s2] =	stream.linear.scatter [tilespmem:s7], [sflag:$0x2], $0x2000, $0x38;
	[tilespmem:$0x10400] =	vst v63  }
0x70: {  	_ =	swait.ge [sflag:s3], $0x2000  }
0x71: {  	[sflag:s3] =	ssyncset.done $0x0  }
0x72: {  	s1 =	rddreg [dreg:$0xa];
	[sflag:s3] =	ssyncadd.s32 $0xFFFFE000  }
0x73: {  	[hbm4b:s1+s2] =	stream.linear.scatter [tilespmem:s6], [sflag:$0x2], $0x4000, $0x38;
	[tilespmem:$0x10400] =	vst v63  }
0x74: {  	_ =	swait.ge [sflag:s3], $0x4000  }
0x75: {  	[sflag:s3] =	ssyncset.done $0x0  }
0x76: {  	s1 =	rddreg [dreg:$0xb];
	[sflag:s3] =	ssyncadd.s32 $0xFFFFC000  }
0x77: {  	[hbm4b:s1+s2] =	stream.linear.scatter [tilespmem:s5], [sflag:$0x2], $0x4000, $0x38;
	[tilespmem:$0x10400] =	vst v63  }
0x78: {  	_ =	swait.ge [sflag:s3], $0x4000  }
0x79: {  	[sflag:s3] =	ssyncset.done $0x0  }
0x7a: {  	[sflag:s3] =	ssyncadd.s32 $0xFFFFC000  }
0x7b: {  	[tilespmem:s13], [sflag:$0x1] =	stream.indirect.gather [hbm4b:s8+s18], $0x20, s28, s18, $0xb8;
	[tilespmem:$0x10400] =	vst v63  }
0x7c: {  	_ = 	snop  }
0x7d: {  	[tilespmem:s12], [sflag:$0x1] =	stream.indirect.gather [hbm4b:s9+s18], $0x20, s29, s18, $0xb8;
	[tilespmem:$0x10400] =	vst v63  }
0x7e: {  	_ = 	snop  }
0x7f: {  	[tilespmem:s11], [sflag:$0x1] =	stream.indirect.gather [hbm4b:s10+s18], $0x20, s28, s18, $0xb8;
	[tilespmem:$0x10400] =	vst v63  }
0x80: {  	_ = 	snop  }
0x81: {  	[tilespmem:s7], [sflag:$0x1] =	stream.indirect.gather [hbm4b:s14+s18], $0x20, s29, s18, $0xb8;
	[tilespmem:$0x10400] =	vst v63  }
0x82: {  	_ = 	snop  }
0x83: {  	[tilespmem:s6], [sflag:$0x1] =	stream.indirect.gather [hbm4b:s16+s18], $0x40, s28, s18, $0xb8;
	[tilespmem:$0x10400] =	vst v63  }
0x84: {  	_ = 	snop  }
0x85: {  	[tilespmem:s5], [sflag:$0x1] =	stream.indirect.gather [hbm4b:s17+s18], $0x40, s29, s18, $0xb8;
	[tilespmem:$0x10400] =	vst v63  }
0x86: {  	_ = 	snop  }
0x87: {  	[tilespmem:s19], [sflag:$0x1] =	stream.indirect.gather [hbm4b:s8+s18], $0x20, s25, s18, $0xb8;
	[tilespmem:$0x10400] =	vst v63  }
0x88: {  	_ = 	snop  }
0x89: {  	[tilespmem:s20], [sflag:$0x1] =	stream.indirect.gather [hbm4b:s9+s18], $0x20, s26, s18, $0xb8;
	[tilespmem:$0x10400] =	vst v63  }
0x8a: {  	_ = 	snop  }
0x8b: {  	[tilespmem:s21], [sflag:$0x1] =	stream.indirect.gather [hbm4b:s10+s18], $0x20, s25, s18, $0xb8;
	[tilespmem:$0x10400] =	vst v63  }
0x8c: {  	_ = 	snop  }
0x8d: {  	[tilespmem:s22], [sflag:$0x1] =	stream.indirect.gather [hbm4b:s14+s18], $0x20, s26, s18, $0xb8;
	[tilespmem:$0x10400] =	vst v63  }
0x8e: {  	_ = 	snop  }
0x8f: {  	[tilespmem:s23], [sflag:$0x1] =	stream.indirect.gather [hbm4b:s16+s18], $0x40, s25, s18, $0xb8;
	[tilespmem:$0x10400] =	vst v63  }
0x90: {  	_ = 	snop  }
0x91: {  	[tilespmem:s24], [sflag:$0x1] =	stream.indirect.gather [hbm4b:s17+s18], $0x40, s26, s18, $0xb8;
	[tilespmem:$0x10400] =	vst v63  }
0x92: {  	_ =	swait.ge [sflag:s15], $0x1000  }
0x93: {  	[sflag:s15] =	ssyncset.done $0x0  }
0x94: {  	[sflag:s15] =	ssyncadd.s32 $0xFFFFF000  }
0x95: {  	_ =	swait.ge [sflag:s15], $0x1000  }
0x96: {  	[sflag:s15] =	ssyncset.done $0x0  }
0x97: {  	[sflag:s15] =	ssyncadd.s32 $0xFFFFF000  }
0x98: {  	_ =	swait.ge [sflag:s15], $0x1000  }
0x99: {  	[sflag:s15] =	ssyncset.done $0x0  }
0x9a: {  	[sflag:s15] =	ssyncadd.s32 $0xFFFFF000  }
0x9b: {  	_ =	swait.ge [sflag:s15], $0x1000  }
0x9c: {  	[sflag:s15] =	ssyncset.done $0x0  }
0x9d: {  	[sflag:s15] =	ssyncadd.s32 $0xFFFFF000  }
0x9e: {  	_ =	swait.ge [sflag:s15], $0x2000  }
0x9f: {  	[sflag:s15] =	ssyncset.done $0x0  }
0xa0: {  	[sflag:s15] =	ssyncadd.s32 $0xFFFFE000  }
0xa1: {  	_ =	swait.ge [sflag:s15], $0x2000  }
0xa2: {  	[sflag:s15] =	ssyncset.done $0x0  }
0xa3: {  	[sflag:s15] =	ssyncadd.s32 $0xFFFFE000  }
0xa4: {  	_ =	swait.ge [sflag:s15], $0x1000  }
0xa5: {  	[sflag:s15] =	ssyncset.done $0x0  }
0xa6: {  	[sflag:s15] =	ssyncadd.s32 $0xFFFFF000  }
0xa7: {  	_ =	swait.ge [sflag:s15], $0x1000  }
0xa8: {  	[sflag:s15] =	ssyncset.done $0x0  }
0xa9: {  	[sflag:s15] =	ssyncadd.s32 $0xFFFFF000  }
0xaa: {  	_ =	swait.ge [sflag:s15], $0x1000  }
0xab: {  	[sflag:s15] =	ssyncset.done $0x0  }
0xac: {  	[sflag:s15] =	ssyncadd.s32 $0xFFFFF000  }
0xad: {  	_ =	swait.ge [sflag:s15], $0x1000  }
0xae: {  	[sflag:s15] =	ssyncset.done $0x0  }
0xaf: {  	[sflag:s15] =	ssyncadd.s32 $0xFFFFF000  }
0xb0: {  	_ =	swait.ge [sflag:s15], $0x2000  }
0xb1: {  	[sflag:s15] =	ssyncset.done $0x0  }
0xb2: {  	[sflag:s15] =	ssyncadd.s32 $0xFFFFE000  }
0xb3: {  	_ =	swait.ge [sflag:s15], $0x2000  }
0xb4: {  	[sflag:s15] =	ssyncset.done $0x0  }
0xb5: {  	s1 =	rddreg [dreg:$0xc];
	[sflag:s15] =	ssyncadd.s32 $0xFFFFE000  }
0xb6: {  	[hbm4b:s1+s2] =	stream.linear.scatter [tilespmem:s13], [sflag:$0x2], $0x2000, $0x38;
	[tilespmem:$0x10400] =	vst v63  }
0xb7: {  	_ =	swait.ge [sflag:s3], $0x2000  }
0xb8: {  	[sflag:s3] =	ssyncset.done $0x0  }
0xb9: {  	s1 =	rddreg [dreg:$0xd];
	[sflag:s3] =	ssyncadd.s32 $0xFFFFE000  }
0xba: {  	[hbm4b:s1+s2] =	stream.linear.scatter [tilespmem:s12], [sflag:$0x2], $0x2000, $0x38;
	[tilespmem:$0x10400] =	vst v63  }
0xbb: {  	_ =	swait.ge [sflag:s3], $0x2000  }
0xbc: {  	[sflag:s3] =	ssyncset.done $0x0  }
0xbd: {  	s1 =	rddreg [dreg:$0xe];
	[sflag:s3] =	ssyncadd.s32 $0xFFFFE000  }
0xbe: {  	[hbm4b:s1+s2] =	stream.linear.scatter [tilespmem:s11], [sflag:$0x2], $0x2000, $0x38;
	[tilespmem:$0x10400] =	vst v63  }
0xbf: {  	_ =	swait.ge [sflag:s3], $0x2000  }
0xc0: {  	[sflag:s3] =	ssyncset.done $0x0  }
0xc1: {  	s1 =	rddreg [dreg:$0xf];
	[sflag:s3] =	ssyncadd.s32 $0xFFFFE000  }
0xc2: {  	[hbm4b:s1+s2] =	stream.linear.scatter [tilespmem:s7], [sflag:$0x2], $0x2000, $0x38;
	[tilespmem:$0x10400] =	vst v63  }
0xc3: {  	_ =	swait.ge [sflag:s3], $0x2000  }
0xc4: {  	[sflag:s3] =	ssyncset.done $0x0  }
0xc5: {  	s1 =	rddreg [dreg:$0x10];
	[sflag:s3] =	ssyncadd.s32 $0xFFFFE000  }
0xc6: {  	[hbm4b:s1+s2] =	stream.linear.scatter [tilespmem:s6], [sflag:$0x2], $0x4000, $0x38;
	[tilespmem:$0x10400] =	vst v63  }
0xc7: {  	p1 =	sne.s32 s0, $0x1;
	_ =	swait.ge [sflag:s3], $0x4000  }
.Ltmp1:
0xc8: {  	[sflag:s3] =	ssyncset.done $0x0;
	(pc) =	sbr.rel @!p1 .LBB2_3-.Ltmp1, $4  }
0xc9: {  	[sflag:s3] =	ssyncadd.s32 $0xFFFFC000  }
0xca: {  	[hbm4b:s4+s2] =	stream.linear.scatter [tilespmem:s5], [sflag:$0x2], $0x4000, $0x38;
	[tilespmem:$0x10400] =	vst v63  }
0xcb: {  	s0 =	sadd.s32 $0xFFFFFFFF, s0;
	_ =	swait.ge [sflag:s3], $0x4000  }
0xcc: {  	p0 =	por $0x1, $0x1;
	s1 =	rddreg [dreg:$0x4];
	[sflag:s3] =	ssyncset.done $0x0  }
.LBB2_2:
0xcd: {  	[sflag:s3] =	ssyncadd.s32 $0xFFFFC000  }
0xce: {  	[tilespmem:s2], [sflag:$0x2] =	stream.linear.gather [hbm4b:s1+s2], $0x200, $0x38;
	[tilespmem:$0x10400] =	vst v63  }
0xcf: {  	_ =	swait.ge [sflag:s3], $0x200  }
0xd0: {  	[sflag:s3] =	ssyncset.done $0x0  }
0xd1: {  	s1 =	rddreg [dreg:$0x5];
	[sflag:s3] =	ssyncadd.s32 $0xFFFFFE00  }
0xd2: {  	[tilespmem:s30], [sflag:$0x2] =	stream.linear.gather [hbm4b:s1+s2], $0x200, $0x38;
	[tilespmem:$0x10400] =	vst v63  }
0xd3: {  	_ =	swait.ge [sflag:s3], $0x200  }
0xd4: {  	[sflag:s3] =	ssyncset.done $0x0  }
0xd5: {  	[sflag:s3] =	ssyncadd.s32 $0xFFFFFE00  }
0xd6: {  	[tilespmem:s13], [sflag:$0x1] =	stream.indirect.gather [hbm4b:s8+s18], $0x20, s2, s18, $0xb8;
	[tilespmem:$0x10400] =	vst v63  }
0xd7: {  	_ = 	snop  }
0xd8: {  	[tilespmem:s12], [sflag:$0x1] =	stream.indirect.gather [hbm4b:s9+s18], $0x20, s30, s18, $0xb8;
	[tilespmem:$0x10400] =	vst v63  }
0xd9: {  	_ = 	snop  }
0xda: {  	[tilespmem:s11], [sflag:$0x1] =	stream.indirect.gather [hbm4b:s10+s18], $0x20, s2, s18, $0xb8;
	[tilespmem:$0x10400] =	vst v63  }
0xdb: {  	_ = 	snop  }
0xdc: {  	[tilespmem:s7], [sflag:$0x1] =	stream.indirect.gather [hbm4b:s14+s18], $0x20, s30, s18, $0xb8;
	[tilespmem:$0x10400] =	vst v63  }
0xdd: {  	_ = 	snop  }
0xde: {  	[tilespmem:s6], [sflag:$0x1] =	stream.indirect.gather [hbm4b:s16+s18], $0x40, s2, s18, $0xb8;
	[tilespmem:$0x10400] =	vst v63  }
0xdf: {  	_ = 	snop  }
0xe0: {  	[tilespmem:s5], [sflag:$0x1] =	stream.indirect.gather [hbm4b:s17+s18], $0x40, s30, s18, $0xb8;
	[tilespmem:$0x10400] =	vst v63  }
0xe1: {  	_ = 	snop  }
0xe2: {  	[tilespmem:s19], [sflag:$0x1] =	stream.indirect.gather [hbm4b:s8+s18], $0x20, s18, s18, $0xb8;
	[tilespmem:$0x10400] =	vst v63  }
0xe3: {  	_ = 	snop  }
0xe4: {  	[tilespmem:s20], [sflag:$0x1] =	stream.indirect.gather [hbm4b:s9+s18], $0x20, s31, s18, $0xb8;
	[tilespmem:$0x10400] =	vst v63  }
0xe5: {  	_ = 	snop  }
0xe6: {  	[tilespmem:s21], [sflag:$0x1] =	stream.indirect.gather [hbm4b:s10+s18], $0x20, s18, s18, $0xb8;
	[tilespmem:$0x10400] =	vst v63  }
0xe7: {  	_ = 	snop  }
0xe8: {  	[tilespmem:s22], [sflag:$0x1] =	stream.indirect.gather [hbm4b:s14+s18], $0x20, s31, s18, $0xb8;
	[tilespmem:$0x10400] =	vst v63  }
0xe9: {  	_ = 	snop  }
0xea: {  	[tilespmem:s23], [sflag:$0x1] =	stream.indirect.gather [hbm4b:s16+s18], $0x40, s18, s18, $0xb8;
	[tilespmem:$0x10400] =	vst v63  }
0xeb: {  	_ = 	snop  }
0xec: {  	[tilespmem:s24], [sflag:$0x1] =	stream.indirect.gather [hbm4b:s17+s18], $0x40, s31, s18, $0xb8;
	[tilespmem:$0x10400] =	vst v63  }
0xed: {  	_ =	swait.ge [sflag:s15], $0x1000  }
0xee: {  	[sflag:s15] =	ssyncset.done $0x0  }
0xef: {  	[sflag:s15] =	ssyncadd.s32 $0xFFFFF000  }
0xf0: {  	_ =	swait.ge [sflag:s15], $0x1000  }
0xf1: {  	[sflag:s15] =	ssyncset.done $0x0  }
0xf2: {  	[sflag:s15] =	ssyncadd.s32 $0xFFFFF000  }
0xf3: {  	_ =	swait.ge [sflag:s15], $0x1000  }
0xf4: {  	[sflag:s15] =	ssyncset.done $0x0  }
0xf5: {  	[sflag:s15] =	ssyncadd.s32 $0xFFFFF000  }
0xf6: {  	_ =	swait.ge [sflag:s15], $0x1000  }
0xf7: {  	[sflag:s15] =	ssyncset.done $0x0  }
0xf8: {  	[sflag:s15] =	ssyncadd.s32 $0xFFFFF000  }
0xf9: {  	_ =	swait.ge [sflag:s15], $0x2000  }
0xfa: {  	[sflag:s15] =	ssyncset.done $0x0  }
0xfb: {  	[sflag:s15] =	ssyncadd.s32 $0xFFFFE000  }
0xfc: {  	_ =	swait.ge [sflag:s15], $0x2000  }
0xfd: {  	[sflag:s15] =	ssyncset.done $0x0  }
0xfe: {  	[sflag:s15] =	ssyncadd.s32 $0xFFFFE000  }
0xff: {  	_ =	swait.ge [sflag:s15], $0x1000  }
0x100: {  	[sflag:s15] =	ssyncset.done $0x0  }
0x101: {  	[sflag:s15] =	ssyncadd.s32 $0xFFFFF000  }
0x102: {  	_ =	swait.ge [sflag:s15], $0x1000  }
0x103: {  	[sflag:s15] =	ssyncset.done $0x0  }
0x104: {  	[sflag:s15] =	ssyncadd.s32 $0xFFFFF000  }
0x105: {  	_ =	swait.ge [sflag:s15], $0x1000  }
0x106: {  	[sflag:s15] =	ssyncset.done $0x0  }
0x107: {  	[sflag:s15] =	ssyncadd.s32 $0xFFFFF000  }
0x108: {  	_ =	swait.ge [sflag:s15], $0x1000  }
0x109: {  	[sflag:s15] =	ssyncset.done $0x0  }
0x10a: {  	[sflag:s15] =	ssyncadd.s32 $0xFFFFF000  }
0x10b: {  	_ =	swait.ge [sflag:s15], $0x2000  }
0x10c: {  	[sflag:s15] =	ssyncset.done $0x0  }
0x10d: {  	[sflag:s15] =	ssyncadd.s32 $0xFFFFE000  }
0x10e: {  	_ =	swait.ge [sflag:s15], $0x2000  }
0x10f: {  	[sflag:s15] =	ssyncset.done $0x0  }
0x110: {  	s1 =	rddreg [dreg:$0x6];
	[sflag:s15] =	ssyncadd.s32 $0xFFFFE000  }
0x111: {  	[hbm4b:s1+s2] =	stream.linear.scatter [tilespmem:s13], [sflag:$0x2], $0x2000, $0x38;
	[tilespmem:$0x10400] =	vst v63  }
0x112: {  	_ =	swait.ge [sflag:s3], $0x2000  }
0x113: {  	[sflag:s3] =	ssyncset.done $0x0  }
0x114: {  	s1 =	rddreg [dreg:$0x7];
	[sflag:s3] =	ssyncadd.s32 $0xFFFFE000  }
0x115: {  	[hbm4b:s1+s2] =	stream.linear.scatter [tilespmem:s12], [sflag:$0x2], $0x2000, $0x38;
	[tilespmem:$0x10400] =	vst v63  }
0x116: {  	_ =	swait.ge [sflag:s3], $0x2000  }
0x117: {  	[sflag:s3] =	ssyncset.done $0x0  }
0x118: {  	s1 =	rddreg [dreg:$0x8];
	[sflag:s3] =	ssyncadd.s32 $0xFFFFE000  }
0x119: {  	[hbm4b:s1+s2] =	stream.linear.scatter [tilespmem:s11], [sflag:$0x2], $0x2000, $0x38;
	[tilespmem:$0x10400] =	vst v63  }
0x11a: {  	_ =	swait.ge [sflag:s3], $0x2000  }
0x11b: {  	[sflag:s3] =	ssyncset.done $0x0  }
0x11c: {  	s1 =	rddreg [dreg:$0x9];
	[sflag:s3] =	ssyncadd.s32 $0xFFFFE000  }
0x11d: {  	[hbm4b:s1+s2] =	stream.linear.scatter [tilespmem:s7], [sflag:$0x2], $0x2000, $0x38;
	[tilespmem:$0x10400] =	vst v63  }
0x11e: {  	_ =	swait.ge [sflag:s3], $0x2000  }
0x11f: {  	[sflag:s3] =	ssyncset.done $0x0  }
0x120: {  	s1 =	rddreg [dreg:$0xa];
	[sflag:s3] =	ssyncadd.s32 $0xFFFFE000  }
0x121: {  	[hbm4b:s1+s2] =	stream.linear.scatter [tilespmem:s6], [sflag:$0x2], $0x4000, $0x38;
	[tilespmem:$0x10400] =	vst v63  }
0x122: {  	_ =	swait.ge [sflag:s3], $0x4000  }
0x123: {  	[sflag:s3] =	ssyncset.done $0x0  }
0x124: {  	s1 =	rddreg [dreg:$0xb];
	[sflag:s3] =	ssyncadd.s32 $0xFFFFC000  }
0x125: {  	[hbm4b:s1+s2] =	stream.linear.scatter [tilespmem:s5], [sflag:$0x2], $0x4000, $0x38;
	[tilespmem:$0x10400] =	vst v63  }
0x126: {  	_ =	swait.ge [sflag:s3], $0x4000  }
0x127: {  	[sflag:s3] =	ssyncset.done $0x0  }
0x128: {  	[sflag:s3] =	ssyncadd.s32 $0xFFFFC000  }
0x129: {  	[tilespmem:s13], [sflag:$0x1] =	stream.indirect.gather [hbm4b:s8+s18], $0x20, s28, s18, $0xb8;
	[tilespmem:$0x10400] =	vst v63  }
0x12a: {  	_ = 	snop  }
0x12b: {  	[tilespmem:s12], [sflag:$0x1] =	stream.indirect.gather [hbm4b:s9+s18], $0x20, s29, s18, $0xb8;
	[tilespmem:$0x10400] =	vst v63  }
0x12c: {  	_ = 	snop  }
0x12d: {  	[tilespmem:s11], [sflag:$0x1] =	stream.indirect.gather [hbm4b:s10+s18], $0x20, s28, s18, $0xb8;
	[tilespmem:$0x10400] =	vst v63  }
0x12e: {  	_ = 	snop  }
0x12f: {  	[tilespmem:s7], [sflag:$0x1] =	stream.indirect.gather [hbm4b:s14+s18], $0x20, s29, s18, $0xb8;
	[tilespmem:$0x10400] =	vst v63  }
0x130: {  	_ = 	snop  }
0x131: {  	[tilespmem:s6], [sflag:$0x1] =	stream.indirect.gather [hbm4b:s16+s18], $0x40, s28, s18, $0xb8;
	[tilespmem:$0x10400] =	vst v63  }
0x132: {  	_ = 	snop  }
0x133: {  	[tilespmem:s5], [sflag:$0x1] =	stream.indirect.gather [hbm4b:s17+s18], $0x40, s29, s18, $0xb8;
	[tilespmem:$0x10400] =	vst v63  }
0x134: {  	_ = 	snop  }
0x135: {  	[tilespmem:s19], [sflag:$0x1] =	stream.indirect.gather [hbm4b:s8+s18], $0x20, s25, s18, $0xb8;
	[tilespmem:$0x10400] =	vst v63  }
0x136: {  	_ = 	snop  }
0x137: {  	[tilespmem:s20], [sflag:$0x1] =	stream.indirect.gather [hbm4b:s9+s18], $0x20, s26, s18, $0xb8;
	[tilespmem:$0x10400] =	vst v63  }
0x138: {  	_ = 	snop  }
0x139: {  	[tilespmem:s21], [sflag:$0x1] =	stream.indirect.gather [hbm4b:s10+s18], $0x20, s25, s18, $0xb8;
	[tilespmem:$0x10400] =	vst v63  }
0x13a: {  	_ = 	snop  }
0x13b: {  	[tilespmem:s22], [sflag:$0x1] =	stream.indirect.gather [hbm4b:s14+s18], $0x20, s26, s18, $0xb8;
	[tilespmem:$0x10400] =	vst v63  }
0x13c: {  	_ = 	snop  }
0x13d: {  	[tilespmem:s23], [sflag:$0x1] =	stream.indirect.gather [hbm4b:s16+s18], $0x40, s25, s18, $0xb8;
	[tilespmem:$0x10400] =	vst v63  }
0x13e: {  	_ = 	snop  }
0x13f: {  	[tilespmem:s24], [sflag:$0x1] =	stream.indirect.gather [hbm4b:s17+s18], $0x40, s26, s18, $0xb8;
	[tilespmem:$0x10400] =	vst v63  }
0x140: {  	_ =	swait.ge [sflag:s15], $0x1000  }
0x141: {  	[sflag:s15] =	ssyncset.done $0x0  }
0x142: {  	[sflag:s15] =	ssyncadd.s32 $0xFFFFF000  }
0x143: {  	_ =	swait.ge [sflag:s15], $0x1000  }
0x144: {  	[sflag:s15] =	ssyncset.done $0x0  }
0x145: {  	[sflag:s15] =	ssyncadd.s32 $0xFFFFF000  }
0x146: {  	_ =	swait.ge [sflag:s15], $0x1000  }
0x147: {  	[sflag:s15] =	ssyncset.done $0x0  }
0x148: {  	[sflag:s15] =	ssyncadd.s32 $0xFFFFF000  }
0x149: {  	_ =	swait.ge [sflag:s15], $0x1000  }
0x14a: {  	[sflag:s15] =	ssyncset.done $0x0  }
0x14b: {  	[sflag:s15] =	ssyncadd.s32 $0xFFFFF000  }
0x14c: {  	_ =	swait.ge [sflag:s15], $0x2000  }
0x14d: {  	[sflag:s15] =	ssyncset.done $0x0  }
0x14e: {  	[sflag:s15] =	ssyncadd.s32 $0xFFFFE000  }
0x14f: {  	_ =	swait.ge [sflag:s15], $0x2000  }
0x150: {  	[sflag:s15] =	ssyncset.done $0x0  }
0x151: {  	[sflag:s15] =	ssyncadd.s32 $0xFFFFE000  }
0x152: {  	_ =	swait.ge [sflag:s15], $0x1000  }
0x153: {  	[sflag:s15] =	ssyncset.done $0x0  }
0x154: {  	[sflag:s15] =	ssyncadd.s32 $0xFFFFF000  }
0x155: {  	_ =	swait.ge [sflag:s15], $0x1000  }
0x156: {  	[sflag:s15] =	ssyncset.done $0x0  }
0x157: {  	[sflag:s15] =	ssyncadd.s32 $0xFFFFF000  }
0x158: {  	_ =	swait.ge [sflag:s15], $0x1000  }
0x159: {  	[sflag:s15] =	ssyncset.done $0x0  }
0x15a: {  	[sflag:s15] =	ssyncadd.s32 $0xFFFFF000  }
0x15b: {  	_ =	swait.ge [sflag:s15], $0x1000  }
0x15c: {  	[sflag:s15] =	ssyncset.done $0x0  }
0x15d: {  	[sflag:s15] =	ssyncadd.s32 $0xFFFFF000  }
0x15e: {  	_ =	swait.ge [sflag:s15], $0x2000  }
0x15f: {  	[sflag:s15] =	ssyncset.done $0x0  }
0x160: {  	[sflag:s15] =	ssyncadd.s32 $0xFFFFE000  }
0x161: {  	_ =	swait.ge [sflag:s15], $0x2000  }
0x162: {  	[sflag:s15] =	ssyncset.done $0x0  }
0x163: {  	s1 =	rddreg [dreg:$0xc];
	[sflag:s15] =	ssyncadd.s32 $0xFFFFE000  }
0x164: {  	[hbm4b:s1+s2] =	stream.linear.scatter [tilespmem:s13], [sflag:$0x2], $0x2000, $0x38;
	[tilespmem:$0x10400] =	vst v63  }
0x165: {  	_ =	swait.ge [sflag:s3], $0x2000  }
0x166: {  	[sflag:s3] =	ssyncset.done $0x0  }
0x167: {  	s1 =	rddreg [dreg:$0xd];
	[sflag:s3] =	ssyncadd.s32 $0xFFFFE000  }
0x168: {  	[hbm4b:s1+s2] =	stream.linear.scatter [tilespmem:s12], [sflag:$0x2], $0x2000, $0x38;
	[tilespmem:$0x10400] =	vst v63  }
0x169: {  	_ =	swait.ge [sflag:s3], $0x2000  }
0x16a: {  	[sflag:s3] =	ssyncset.done $0x0  }
0x16b: {  	s1 =	rddreg [dreg:$0xe];
	[sflag:s3] =	ssyncadd.s32 $0xFFFFE000  }
0x16c: {  	[hbm4b:s1+s2] =	stream.linear.scatter [tilespmem:s11], [sflag:$0x2], $0x2000, $0x38;
	[tilespmem:$0x10400] =	vst v63  }
0x16d: {  	_ =	swait.ge [sflag:s3], $0x2000  }
0x16e: {  	[sflag:s3] =	ssyncset.done $0x0  }
0x16f: {  	s1 =	rddreg [dreg:$0xf];
	[sflag:s3] =	ssyncadd.s32 $0xFFFFE000  }
0x170: {  	[hbm4b:s1+s2] =	stream.linear.scatter [tilespmem:s7], [sflag:$0x2], $0x2000, $0x38;
	[tilespmem:$0x10400] =	vst v63  }
0x171: {  	_ =	swait.ge [sflag:s3], $0x2000  }
0x172: {  	[sflag:s3] =	ssyncset.done $0x0  }
0x173: {  	s1 =	rddreg [dreg:$0x10];
	[sflag:s3] =	ssyncadd.s32 $0xFFFFE000  }
0x174: {  	[hbm4b:s1+s2] =	stream.linear.scatter [tilespmem:s6], [sflag:$0x2], $0x4000, $0x38;
	[tilespmem:$0x10400] =	vst v63  }
0x175: {  	p1 =	sne.s32 s0, $0x1;
	_ =	swait.ge [sflag:s3], $0x4000  }
.Ltmp2:
0x176: {  	[sflag:s3] =	ssyncset.done $0x0;
	(pc) =	sbr.rel @p1 .LBB2_2-.Ltmp2, $4  }
0x177: {  	[sflag:s3] =	ssyncadd.s32 $0xFFFFC000  }
0x178: {  	[hbm4b:s4+s2] =	stream.linear.scatter [tilespmem:s5], [sflag:$0x2], $0x4000, $0x38;
	[tilespmem:$0x10400] =	vst v63  }
0x179: {  	_ =	swait.ge [sflag:s3], $0x4000  }
0x17a: {  	s0 =	sadd.s32 $0xFFFFFFFF, s0;
	s1 =	rddreg [dreg:$0x4];
	[sflag:s3] =	ssyncset.done $0x0  }
.LBB2_3:
0x17b: {  	[sflag:s3] =	ssyncadd.s32 @p0 $0xFFFFC000  }
0x17c: {  	[tilespmem:s2], [sflag:$0x2] =	stream.linear.gather [hbm4b:s1+s2], $0x200, $0x38;
	[tilespmem:$0x10400] =	vst v63  }
0x17d: {  	_ =	swait.ge [sflag:s3], $0x200  }
0x17e: {  	[sflag:s3] =	ssyncset.done $0x0  }
0x17f: {  	s0 =	rddreg [dreg:$0x5];
	[sflag:s3] =	ssyncadd.s32 $0xFFFFFE00  }
0x180: {  	[tilespmem:s30], [sflag:$0x2] =	stream.linear.gather [hbm4b:s0+s2], $0x200, $0x38;
	[tilespmem:$0x10400] =	vst v63  }
0x181: {  	_ =	swait.ge [sflag:s3], $0x200  }
0x182: {  	[sflag:s3] =	ssyncset.done $0x0  }
0x183: {  	[sflag:s3] =	ssyncadd.s32 $0xFFFFFE00  }
0x184: {  	[tilespmem:s13], [sflag:$0x1] =	stream.indirect.gather [hbm4b:s8+s18], $0x20, s2, s18, $0xb8;
	[tilespmem:$0x10400] =	vst v63  }
0x185: {  	_ = 	snop  }
0x186: {  	[tilespmem:s12], [sflag:$0x1] =	stream.indirect.gather [hbm4b:s9+s18], $0x20, s30, s18, $0xb8;
	[tilespmem:$0x10400] =	vst v63  }
0x187: {  	_ = 	snop  }
0x188: {  	[tilespmem:s11], [sflag:$0x1] =	stream.indirect.gather [hbm4b:s10+s18], $0x20, s2, s18, $0xb8;
	[tilespmem:$0x10400] =	vst v63  }
0x189: {  	_ = 	snop  }
0x18a: {  	[tilespmem:s7], [sflag:$0x1] =	stream.indirect.gather [hbm4b:s14+s18], $0x20, s30, s18, $0xb8;
	[tilespmem:$0x10400] =	vst v63  }
0x18b: {  	_ = 	snop  }
0x18c: {  	[tilespmem:s6], [sflag:$0x1] =	stream.indirect.gather [hbm4b:s16+s18], $0x40, s2, s18, $0xb8;
	[tilespmem:$0x10400] =	vst v63  }
0x18d: {  	_ = 	snop  }
0x18e: {  	[tilespmem:s5], [sflag:$0x1] =	stream.indirect.gather [hbm4b:s17+s18], $0x40, s30, s18, $0xb8;
	[tilespmem:$0x10400] =	vst v63  }
0x18f: {  	_ = 	snop  }
0x190: {  	[tilespmem:s19], [sflag:$0x1] =	stream.indirect.gather [hbm4b:s8+s18], $0x20, s18, s18, $0xb8;
	[tilespmem:$0x10400] =	vst v63  }
0x191: {  	_ = 	snop  }
0x192: {  	[tilespmem:s20], [sflag:$0x1] =	stream.indirect.gather [hbm4b:s9+s18], $0x20, s31, s18, $0xb8;
	[tilespmem:$0x10400] =	vst v63  }
0x193: {  	_ = 	snop  }
0x194: {  	[tilespmem:s21], [sflag:$0x1] =	stream.indirect.gather [hbm4b:s10+s18], $0x20, s18, s18, $0xb8;
	[tilespmem:$0x10400] =	vst v63  }
0x195: {  	_ = 	snop  }
0x196: {  	[tilespmem:s22], [sflag:$0x1] =	stream.indirect.gather [hbm4b:s14+s18], $0x20, s31, s18, $0xb8;
	[tilespmem:$0x10400] =	vst v63  }
0x197: {  	_ = 	snop  }
0x198: {  	[tilespmem:s23], [sflag:$0x1] =	stream.indirect.gather [hbm4b:s16+s18], $0x40, s18, s18, $0xb8;
	[tilespmem:$0x10400] =	vst v63  }
0x199: {  	_ = 	snop  }
0x19a: {  	[tilespmem:s24], [sflag:$0x1] =	stream.indirect.gather [hbm4b:s17+s18], $0x40, s31, s18, $0xb8;
	[tilespmem:$0x10400] =	vst v63  }
0x19b: {  	_ =	swait.ge [sflag:s15], $0x1000  }
0x19c: {  	[sflag:s15] =	ssyncset.done $0x0  }
0x19d: {  	[sflag:s15] =	ssyncadd.s32 $0xFFFFF000  }
0x19e: {  	_ =	swait.ge [sflag:s15], $0x1000  }
0x19f: {  	[sflag:s15] =	ssyncset.done $0x0  }
0x1a0: {  	[sflag:s15] =	ssyncadd.s32 $0xFFFFF000  }
0x1a1: {  	_ =	swait.ge [sflag:s15], $0x1000  }
0x1a2: {  	[sflag:s15] =	ssyncset.done $0x0  }
0x1a3: {  	[sflag:s15] =	ssyncadd.s32 $0xFFFFF000  }
0x1a4: {  	_ =	swait.ge [sflag:s15], $0x1000  }
0x1a5: {  	[sflag:s15] =	ssyncset.done $0x0  }
0x1a6: {  	[sflag:s15] =	ssyncadd.s32 $0xFFFFF000  }
0x1a7: {  	_ =	swait.ge [sflag:s15], $0x2000  }
0x1a8: {  	[sflag:s15] =	ssyncset.done $0x0  }
0x1a9: {  	[sflag:s15] =	ssyncadd.s32 $0xFFFFE000  }
0x1aa: {  	_ =	swait.ge [sflag:s15], $0x2000  }
0x1ab: {  	[sflag:s15] =	ssyncset.done $0x0  }
0x1ac: {  	[sflag:s15] =	ssyncadd.s32 $0xFFFFE000  }
0x1ad: {  	_ =	swait.ge [sflag:s15], $0x1000  }
0x1ae: {  	[sflag:s15] =	ssyncset.done $0x0  }
0x1af: {  	[sflag:s15] =	ssyncadd.s32 $0xFFFFF000  }
0x1b0: {  	_ =	swait.ge [sflag:s15], $0x1000  }
0x1b1: {  	[sflag:s15] =	ssyncset.done $0x0  }
0x1b2: {  	[sflag:s15] =	ssyncadd.s32 $0xFFFFF000  }
0x1b3: {  	_ =	swait.ge [sflag:s15], $0x1000  }
0x1b4: {  	[sflag:s15] =	ssyncset.done $0x0  }
0x1b5: {  	[sflag:s15] =	ssyncadd.s32 $0xFFFFF000  }
0x1b6: {  	_ =	swait.ge [sflag:s15], $0x1000  }
0x1b7: {  	[sflag:s15] =	ssyncset.done $0x0  }
0x1b8: {  	[sflag:s15] =	ssyncadd.s32 $0xFFFFF000  }
0x1b9: {  	_ =	swait.ge [sflag:s15], $0x2000  }
0x1ba: {  	[sflag:s15] =	ssyncset.done $0x0  }
0x1bb: {  	[sflag:s15] =	ssyncadd.s32 $0xFFFFE000  }
0x1bc: {  	_ =	swait.ge [sflag:s15], $0x2000  }
0x1bd: {  	[sflag:s15] =	ssyncset.done $0x0  }
0x1be: {  	s30 =	rddreg [dreg:$0x6];
	[sflag:s15] =	ssyncadd.s32 $0xFFFFE000  }
0x1bf: {  	[hbm4b:s30+s2] =	stream.linear.scatter [tilespmem:s13], [sflag:$0x2], $0x2000, $0x38;
	[tilespmem:$0x10400] =	vst v63  }
0x1c0: {  	_ =	swait.ge [sflag:s3], $0x2000  }
0x1c1: {  	[sflag:s3] =	ssyncset.done $0x0  }
0x1c2: {  	s31 =	rddreg [dreg:$0x7];
	[sflag:s3] =	ssyncadd.s32 $0xFFFFE000  }
0x1c3: {  	[hbm4b:s31+s2] =	stream.linear.scatter [tilespmem:s12], [sflag:$0x2], $0x2000, $0x38;
	[tilespmem:$0x10400] =	vst v63  }
0x1c4: {  	_ =	swait.ge [sflag:s3], $0x2000  }
0x1c5: {  	[sflag:s3] =	ssyncset.done $0x0  }
0x1c6: {  	s1 =	rddreg [dreg:$0x8];
	[sflag:s3] =	ssyncadd.s32 $0xFFFFE000  }
0x1c7: {  	[hbm4b:s1+s2] =	stream.linear.scatter [tilespmem:s11], [sflag:$0x2], $0x2000, $0x38;
	[tilespmem:$0x10400] =	vst v63  }
0x1c8: {  	_ =	swait.ge [sflag:s3], $0x2000  }
0x1c9: {  	[sflag:s3] =	ssyncset.done $0x0  }
0x1ca: {  	s30 =	rddreg [dreg:$0x9];
	[sflag:s3] =	ssyncadd.s32 $0xFFFFE000  }
0x1cb: {  	[hbm4b:s30+s2] =	stream.linear.scatter [tilespmem:s7], [sflag:$0x2], $0x2000, $0x38;
	[tilespmem:$0x10400] =	vst v63  }
0x1cc: {  	_ =	swait.ge [sflag:s3], $0x2000  }
0x1cd: {  	[sflag:s3] =	ssyncset.done $0x0  }
0x1ce: {  	s31 =	rddreg [dreg:$0xa];
	[sflag:s3] =	ssyncadd.s32 $0xFFFFE000  }
0x1cf: {  	[hbm4b:s31+s2] =	stream.linear.scatter [tilespmem:s6], [sflag:$0x2], $0x4000, $0x38;
	[tilespmem:$0x10400] =	vst v63  }
0x1d0: {  	_ =	swait.ge [sflag:s3], $0x4000  }
0x1d1: {  	[sflag:s3] =	ssyncset.done $0x0  }
0x1d2: {  	s1 =	rddreg [dreg:$0xb];
	[sflag:s3] =	ssyncadd.s32 $0xFFFFC000  }
0x1d3: {  	[hbm4b:s1+s2] =	stream.linear.scatter [tilespmem:s5], [sflag:$0x2], $0x4000, $0x38;
	[tilespmem:$0x10400] =	vst v63  }
0x1d4: {  	_ =	swait.ge [sflag:s3], $0x4000  }
0x1d5: {  	[sflag:s3] =	ssyncset.done $0x0  }
0x1d6: {  	[sflag:s3] =	ssyncadd.s32 $0xFFFFC000  }
0x1d7: {  	[tilespmem:s13], [sflag:$0x1] =	stream.indirect.gather [hbm4b:s8+s18], $0x20, s28, s18, $0xb8;
	[tilespmem:$0x10400] =	vst v63  }
0x1d8: {  	_ = 	snop  }
0x1d9: {  	[tilespmem:s12], [sflag:$0x1] =	stream.indirect.gather [hbm4b:s9+s18], $0x20, s29, s18, $0xb8;
	[tilespmem:$0x10400] =	vst v63  }
0x1da: {  	_ = 	snop  }
0x1db: {  	[tilespmem:s11], [sflag:$0x1] =	stream.indirect.gather [hbm4b:s10+s18], $0x20, s28, s18, $0xb8;
	[tilespmem:$0x10400] =	vst v63  }
0x1dc: {  	_ = 	snop  }
0x1dd: {  	[tilespmem:s7], [sflag:$0x1] =	stream.indirect.gather [hbm4b:s14+s18], $0x20, s29, s18, $0xb8;
	[tilespmem:$0x10400] =	vst v63  }
0x1de: {  	_ = 	snop  }
0x1df: {  	[tilespmem:s6], [sflag:$0x1] =	stream.indirect.gather [hbm4b:s16+s18], $0x40, s28, s18, $0xb8;
	[tilespmem:$0x10400] =	vst v63  }
0x1e0: {  	_ = 	snop  }
0x1e1: {  	[tilespmem:s5], [sflag:$0x1] =	stream.indirect.gather [hbm4b:s17+s18], $0x40, s29, s18, $0xb8;
	[tilespmem:$0x10400] =	vst v63  }
0x1e2: {  	_ = 	snop  }
0x1e3: {  	[tilespmem:s19], [sflag:$0x1] =	stream.indirect.gather [hbm4b:s8+s18], $0x20, s25, s18, $0xb8;
	[tilespmem:$0x10400] =	vst v63  }
0x1e4: {  	_ = 	snop  }
0x1e5: {  	[tilespmem:s20], [sflag:$0x1] =	stream.indirect.gather [hbm4b:s9+s18], $0x20, s26, s18, $0xb8;
	[tilespmem:$0x10400] =	vst v63  }
0x1e6: {  	_ = 	snop  }
0x1e7: {  	[tilespmem:s21], [sflag:$0x1] =	stream.indirect.gather [hbm4b:s10+s18], $0x20, s25, s18, $0xb8;
	[tilespmem:$0x10400] =	vst v63  }
0x1e8: {  	_ = 	snop  }
0x1e9: {  	[tilespmem:s22], [sflag:$0x1] =	stream.indirect.gather [hbm4b:s14+s18], $0x20, s26, s18, $0xb8;
	[tilespmem:$0x10400] =	vst v63  }
0x1ea: {  	_ = 	snop  }
0x1eb: {  	[tilespmem:s23], [sflag:$0x1] =	stream.indirect.gather [hbm4b:s16+s18], $0x40, s25, s18, $0xb8;
	[tilespmem:$0x10400] =	vst v63  }
0x1ec: {  	_ = 	snop  }
0x1ed: {  	[tilespmem:s24], [sflag:$0x1] =	stream.indirect.gather [hbm4b:s17+s18], $0x40, s26, s18, $0xb8;
	[tilespmem:$0x10400] =	vst v63  }
0x1ee: {  	_ =	swait.ge [sflag:s15], $0x1000  }
0x1ef: {  	[sflag:s15] =	ssyncset.done $0x0  }
0x1f0: {  	[sflag:s15] =	ssyncadd.s32 $0xFFFFF000  }
0x1f1: {  	_ =	swait.ge [sflag:s15], $0x1000  }
0x1f2: {  	[sflag:s15] =	ssyncset.done $0x0  }
0x1f3: {  	[sflag:s15] =	ssyncadd.s32 $0xFFFFF000  }
0x1f4: {  	_ =	swait.ge [sflag:s15], $0x1000  }
0x1f5: {  	[sflag:s15] =	ssyncset.done $0x0  }
0x1f6: {  	[sflag:s15] =	ssyncadd.s32 $0xFFFFF000  }
0x1f7: {  	_ =	swait.ge [sflag:s15], $0x1000  }
0x1f8: {  	[sflag:s15] =	ssyncset.done $0x0  }
0x1f9: {  	[sflag:s15] =	ssyncadd.s32 $0xFFFFF000  }
0x1fa: {  	_ =	swait.ge [sflag:s15], $0x2000  }
0x1fb: {  	[sflag:s15] =	ssyncset.done $0x0  }
0x1fc: {  	[sflag:s15] =	ssyncadd.s32 $0xFFFFE000  }
0x1fd: {  	_ =	swait.ge [sflag:s15], $0x2000  }
0x1fe: {  	[sflag:s15] =	ssyncset.done $0x0  }
0x1ff: {  	[sflag:s15] =	ssyncadd.s32 $0xFFFFE000  }
0x200: {  	_ =	swait.ge [sflag:s15], $0x1000  }
0x201: {  	[sflag:s15] =	ssyncset.done $0x0  }
0x202: {  	[sflag:s15] =	ssyncadd.s32 $0xFFFFF000  }
0x203: {  	_ =	swait.ge [sflag:s15], $0x1000  }
0x204: {  	[sflag:s15] =	ssyncset.done $0x0  }
0x205: {  	[sflag:s15] =	ssyncadd.s32 $0xFFFFF000  }
0x206: {  	_ =	swait.ge [sflag:s15], $0x1000  }
0x207: {  	[sflag:s15] =	ssyncset.done $0x0  }
0x208: {  	[sflag:s15] =	ssyncadd.s32 $0xFFFFF000  }
0x209: {  	_ =	swait.ge [sflag:s15], $0x1000  }
0x20a: {  	[sflag:s15] =	ssyncset.done $0x0  }
0x20b: {  	[sflag:s15] =	ssyncadd.s32 $0xFFFFF000  }
0x20c: {  	_ =	swait.ge [sflag:s15], $0x2000  }
0x20d: {  	[sflag:s15] =	ssyncset.done $0x0  }
0x20e: {  	[sflag:s15] =	ssyncadd.s32 $0xFFFFE000  }
0x20f: {  	_ =	swait.ge [sflag:s15], $0x2000  }
0x210: {  	[sflag:s15] =	ssyncset.done $0x0  }
0x211: {  	s25 =	rddreg [dreg:$0xc];
	[sflag:s15] =	ssyncadd.s32 $0xFFFFE000  }
0x212: {  	[hbm4b:s25+s2] =	stream.linear.scatter [tilespmem:s13], [sflag:$0x2], $0x2000, $0x38;
	[tilespmem:$0x10400] =	vst v63  }
0x213: {  	_ =	swait.ge [sflag:s3], $0x2000  }
0x214: {  	[sflag:s3] =	ssyncset.done $0x0  }
0x215: {  	s26 =	rddreg [dreg:$0xd];
	[sflag:s3] =	ssyncadd.s32 $0xFFFFE000  }
0x216: {  	[hbm4b:s26+s2] =	stream.linear.scatter [tilespmem:s12], [sflag:$0x2], $0x2000, $0x38;
	[tilespmem:$0x10400] =	vst v63  }
0x217: {  	_ =	swait.ge [sflag:s3], $0x2000  }
0x218: {  	[sflag:s3] =	ssyncset.done $0x0  }
0x219: {  	s28 =	rddreg [dreg:$0xe];
	[sflag:s3] =	ssyncadd.s32 $0xFFFFE000  }
0x21a: {  	[hbm4b:s28+s2] =	stream.linear.scatter [tilespmem:s11], [sflag:$0x2], $0x2000, $0x38;
	[tilespmem:$0x10400] =	vst v63  }
0x21b: {  	_ =	swait.ge [sflag:s3], $0x2000  }
0x21c: {  	[sflag:s3] =	ssyncset.done $0x0  }
0x21d: {  	s29 =	rddreg [dreg:$0xf];
	[sflag:s3] =	ssyncadd.s32 $0xFFFFE000  }
0x21e: {  	[hbm4b:s29+s2] =	stream.linear.scatter [tilespmem:s7], [sflag:$0x2], $0x2000, $0x38;
	[tilespmem:$0x10400] =	vst v63  }
0x21f: {  	_ =	swait.ge [sflag:s3], $0x2000  }
0x220: {  	[sflag:s3] =	ssyncset.done $0x0  }
0x221: {  	s30 =	rddreg [dreg:$0x10];
	[sflag:s3] =	ssyncadd.s32 $0xFFFFE000  }
0x222: {  	[hbm4b:s30+s2] =	stream.linear.scatter [tilespmem:s6], [sflag:$0x2], $0x4000, $0x38;
	[tilespmem:$0x10400] =	vst v63  }
0x223: {  	_ =	swait.ge [sflag:s3], $0x4000  }
0x224: {  	[sflag:s3] =	ssyncset.done $0x0  }
0x225: {  	[sflag:s3] =	ssyncadd.s32 $0xFFFFC000  }
0x226: {  	[hbm4b:s4+s2] =	stream.linear.scatter [tilespmem:s5], [sflag:$0x2], $0x4000, $0x38;
	[tilespmem:$0x10400] =	vst v63  }
0x227: {  	_ =	swait.ge [sflag:s3], $0x4000  }
0x228: {  	[sflag:s3] =	ssyncset.done $0x0  }
0x229: {  	[sflag:s3] =	ssyncadd.s32 $0xFFFFC000  }
0x22a: {  	_ =	sfence.sel $0x180000  }
0x22b: {  	[bflag:$0x0] =	sbarrier.arrive $0xFFFF  }
0x22c: {  	_ =	strace $0x90000047  }
0x22d: {  	s31 =	stileid.u32;
	[bflag:$0x2] =	sbarrier.arrive $0xFFFF  }
0x22e: {  	p0 =	sne.s32 s31, $0x0;
	s0 =	rddreg [dreg:$0x3]  }
0x22f: {  	s0 =	sadd.s32 @!p0 $0x100000, s0  }
0x230: {  	[sflag:s0] =	ssyncadd.tile.s32 @!p0 $0x1;
	_ =	shalt  }
.Lfunc_end2:
_tile_overlayer_lowered:
.L_overlay_start_2:
0x231: {  	(tag) =	ssettag $0x2  }
0x232: {  	s0 =	rddreg [dreg:$0x0];
	s2 =	stileid.u32  }
0x233: {  	s1 =	rddreg [dreg:$0x1];
	p0 =	sne.s32 s2, $0x0  }
0x234: {  	s3 =	rddreg [dreg:$0x2];
	[bflag:$0x3] =	sbarrier.arrive $0xFFFF;
	s2 =	simm.s32 @!p0 $0x1C02  }
0x235: {  	[timem:s3], [sflag:s2] =	dma.local @!p0 [hbm:s0], s1  }
0x236: {  	s0 =	simm.s32 @!p0 $0x2  }
0x237: {  	_ =	swait.ge @!p0 [sflag:s0], s1  }
0x238: {  	s1 =	ssub.s32 @!p0 $0x0, s1;
	[sflag:s0] =	ssyncset.done @!p0 $0x0  }
0x239: {  	[sflag:s0] =	ssyncadd.s32 @!p0 s1  }
0x23a: {  	[bflag:$0x3] =	sbarrier.arrive $0xFFFF  }
0x23b: {  	_ =	shalt  }

</sc_bundles>
